<compile_context>
chip_gen: v7x
topology: tpu7x:2x2x1
jax: 0.10.2.dev20260603
libtpu: 0.0.44.dev20260713+nightly
codegen_flags: <defaults>
</compile_context>

<pallas_src>
import jax
import jax.numpy as jnp
from jax import lax
from jax.experimental import pallas as pl
from jax.experimental.pallas import tpu as pltpu
from jax.experimental.pallas import tpu_sc as plsc

B, S, D = 32, 512, 768
T = B * S
NC, NS = 2, 16
NW = NC * NS
NCHUNK = 4
CT = T // NCHUNK
TOK_PER_W = CT // NW
F = 64
NSUB = TOK_PER_W // F
BT = 512
NBLK = CT // BT
EPS = 1e-12


def _sc_gather_body(table_hbm, ids_hbm, out_hbm, idx_v, rows_v, sem):
    wid = lax.axis_index("s") * NC + lax.axis_index("c")
    base = wid * TOK_PER_W
    for f in range(NSUB):
        off = base + f * F
        pltpu.sync_copy(ids_hbm.at[pl.ds(off, F)], idx_v)
        pltpu.async_copy(table_hbm.at[idx_v], rows_v, sem).wait()
        pltpu.sync_copy(rows_v, out_hbm.at[pl.ds(off, F)])


_sc_gather = pl.kernel(
    _sc_gather_body,
    out_type=jax.ShapeDtypeStruct((CT, D), jnp.float32),
    mesh=plsc.VectorSubcoreMesh(
        core_axis_name="c", subcore_axis_name="s", num_cores=NC, num_subcores=NS
    ),
    scratch_types=[
        pltpu.VMEM((F,), jnp.int32),
        pltpu.VMEM((F, D), jnp.float32),
        pltpu.SemaphoreType.DMA,
    ],
)


def _make_tc_ln(chunk, aliased):
    def body(*refs):
        if aliased:
            refs = refs[1:]
        g_ref, tts_ref, eye_ref, pos_ref, wt_ref, gamma_ref, beta_ref, out_ref = refs
        t_row = tts_ref[0]
        t_col = lax.dot_general(
            eye_ref[...], t_row, (((1,), (1,)), ((), ())),
            preferred_element_type=jnp.float32,
        )
        w0 = wt_ref[0:1, :]
        diff = wt_ref[1:2, :] - w0
        x = g_ref[...] + pos_ref[...] + w0 + t_col * diff
        s1 = jnp.sum(x, axis=-1, keepdims=True)
        s2 = jnp.sum(x * x, axis=-1, keepdims=True)
        mean = s1 * (1.0 / D)
        var = jnp.maximum(s2 * (1.0 / D) - mean * mean, 0.0)
        rstd = lax.rsqrt(var + EPS)
        out_ref[...] = (x - mean) * rstd * gamma_ref[...] + beta_ref[...]

    in_specs = [
        pl.BlockSpec((BT, D), lambda i: (i, 0)),
        pl.BlockSpec((1, 1, BT), lambda i: (chunk * NBLK + i, 0, 0)),
        pl.BlockSpec((BT, BT), lambda i: (0, 0)),
        pl.BlockSpec((S, D), lambda i: (0, 0)),
        pl.BlockSpec((2, D), lambda i: (0, 0)),
        pl.BlockSpec((1, D), lambda i: (0, 0)),
        pl.BlockSpec((1, D), lambda i: (0, 0)),
    ]
    kwargs = {}
    if aliased:
        in_specs = [pl.BlockSpec(memory_space=pl.ANY)] + in_specs
        kwargs["input_output_aliases"] = {0: 0}
    return pl.pallas_call(
        body,
        grid=(NBLK,),
        in_specs=in_specs,
        out_specs=pl.BlockSpec((BT, D), lambda i: (chunk * NBLK + i, 0)),
        out_shape=jax.ShapeDtypeStruct((T, D), jnp.float32),
        **kwargs,
    )


def kernel(input_ids, token_type_ids, W_word, W_pos, W_type, gamma, beta):
    ids_flat = input_ids.reshape(T).astype(jnp.int32)
    tts = token_type_ids.reshape(B, 1, S).astype(jnp.float32)
    eye = jnp.eye(BT, dtype=jnp.float32)
    gamma2 = gamma.reshape(1, D)
    beta2 = beta.reshape(1, D)

    gathered = [
        _sc_gather(W_word, ids_flat[c * CT:(c + 1) * CT]) for c in range(NCHUNK)
    ]

    out = None
    for c in range(NCHUNK):
        args = (gathered[c], tts, eye, W_pos, W_type, gamma2, beta2)
        if c == 0:
            out = _make_tc_ln(c, aliased=False)(*args)
        else:
            out = _make_tc_ln(c, aliased=True)(out, *args)

    return out.reshape(B, S, D)

# --- scband reference (transcript-rebuilt; emitter-appended) ---
"""Pipeline reference for scband-bert-embeddings-48893907697739 (READ-ONLY COPY).

The authoritative reference and input builder live on the scoring server;
editing this copy changes nothing except your own understanding.
"""

import jax, jax.numpy as jnp
import numpy as np

VOCAB = 30522
HIDDEN = 768
MAX_POS = 512
TYPES = 2
PAD = 0
EPS = 1e-12


def setup_inputs(seed: int = 0) -> dict:
    key = jax.random.key(seed)
    k1, k2, k3, k4, k5 = jax.random.split(key, 5)
    input_ids = jax.random.randint(k1, (32, 512), 0, VOCAB, dtype=jnp.int64 if jax.config.jax_enable_x64 else jnp.int32)
    token_type_ids = jax.random.randint(k2, (32, 512), 0, TYPES, dtype=input_ids.dtype)
    W_word = (jax.random.normal(k3, (VOCAB, HIDDEN), dtype=jnp.float32) * 0.02).at[PAD].set(0.0)
    W_pos = jax.random.normal(k4, (MAX_POS, HIDDEN), dtype=jnp.float32) * 0.02
    W_type = jax.random.normal(k5, (TYPES, HIDDEN), dtype=jnp.float32) * 0.02
    gamma = jnp.ones((HIDDEN,), dtype=jnp.float32)
    beta = jnp.zeros((HIDDEN,), dtype=jnp.float32)
    return {
        'input_ids': input_ids,
        'token_type_ids': token_type_ids,
        'W_word': W_word,
        'W_pos': W_pos,
        'W_type': W_type,
        'gamma': gamma,
        'beta': beta,
    }


def reference(input_ids, token_type_ids, W_word, W_pos, W_type, gamma, beta):
    seq_length = input_ids.shape[1]
    position_ids = jnp.arange(seq_length, dtype=input_ids.dtype)[None, :]
    word_embeddings = jnp.take(W_word, input_ids, axis=0)
    position_embeddings = jnp.take(W_pos, position_ids, axis=0)
    token_type_embeddings = jnp.take(W_type, token_type_ids, axis=0)
    embeddings = word_embeddings + position_embeddings + token_type_embeddings
    mean = jnp.mean(embeddings, axis=-1, keepdims=True)
    var = jnp.mean(jnp.square(embeddings - mean), axis=-1, keepdims=True)
    normed = (embeddings - mean) / jnp.sqrt(var + EPS)
    out = normed * gamma + beta
    # dropout is identity in eval/deterministic mode
    return out

if __name__ == "__main__":
    import jax
    _d = setup_inputs()
    print(jax.jit(kernel)(*tuple(_d.values())))

</pallas_src>

<mosaic_0001>
#map = affine_map<(d0, d1) -> (0, 0)>
#map1 = affine_map<(d0, d1) -> (0)>
module attributes {stable_mosaic.version = 14 : i64} {
  func.func @_sc_gather_body(%arg0: i32, %arg1: i32, %arg2: memref<30522x768xf32, #tpu.memory_space<hbm>>, %arg3: memref<4096xi32, #tpu.memory_space<hbm>>, %arg4: memref<4096x768xf32, #tpu.memory_space<hbm>>, %arg5: memref<64xi32, #tpu.memory_space<vmem>>, %arg6: memref<64x768xf32, #tpu.memory_space<vmem>>, %arg7: memref<!tpu.dma_semaphore, #tpu.memory_space<semaphore_mem>>) attributes {dimension_semantics = [#tpu.dimension_semantics<core_parallel>, #tpu.dimension_semantics<subcore_parallel>], iteration_bounds = array<i64: 2, 16>, scalar_prefetch = 0 : i64, scratch_operands = 3 : i64, tpu.core_type = #tpu.core_type<sc_vector_subcore>, window_params = [{transform_indices = #map}, {transform_indices = #map1}, {transform_indices = #map}]} {
    %mul3A = arith.constant 2 : i32
    %mul3A_0 = arith.muli %arg1, %mul3A : i32
    %add3A = arith.addi %mul3A_0, %arg0 : i32
    %mul3A_1 = arith.constant 128 : i32
    %mul3A_2 = arith.muli %add3A, %mul3A_1 : i32
    %add3A_3 = arith.constant 0 : i32
    %add3A_4 = arith.addi %mul3A_2, %add3A_3 : i32
    "tpu.region"() ({
      %run_scoped3A = tpu.sem_alloc : memref<!tpu.dma_semaphore, #tpu.memory_space<semaphore_mem>>
      %dma_start3A_17 = tpu.memref_slice %arg3[%add3A_4] : memref<4096xi32, #tpu.memory_space<hbm>> -> memref<64xi32, #tpu.memory_space<hbm>>
      %dma_start3A_18 = tpu.memref_slice %arg3[%add3A_4] : memref<4096xi32, #tpu.memory_space<hbm>> -> memref<64xi32, #tpu.memory_space<hbm>>
      tpu.enqueue_dma source(%dma_start3A_18 : memref<64xi32, #tpu.memory_space<hbm>>) target(%arg5 : memref<64xi32, #tpu.memory_space<vmem>>) target_semaphore(%run_scoped3A : memref<!tpu.dma_semaphore, #tpu.memory_space<semaphore_mem>>)
      %dma_wait3A_19 = tpu.memref_slice %arg3[%add3A_4] : memref<4096xi32, #tpu.memory_space<hbm>> -> memref<64xi32, #tpu.memory_space<hbm>>
      %dma_wait3A_20 = tpu.memref_slice %arg3[%add3A_4] : memref<4096xi32, #tpu.memory_space<hbm>> -> memref<64xi32, #tpu.memory_space<hbm>>
      tpu.wait_dma2 semaphore(%run_scoped3A : memref<!tpu.dma_semaphore, #tpu.memory_space<semaphore_mem>>) src(%dma_wait3A_20 : memref<64xi32, #tpu.memory_space<hbm>>) dst(%arg5 : memref<64xi32, #tpu.memory_space<vmem>>)
      tpu.yield
    }) : () -> ()
    %dma_start3A = arith.constant 0 : i32
    %dma_start3A_5 = arith.constant 0 : i32
    %dma_start3A_6 = tpu.memref_slice %arg2[%dma_start3A, %dma_start3A_5] : memref<30522x768xf32, #tpu.memory_space<hbm>> -> memref<30522x768xf32, #tpu.memory_space<hbm>>
    tpu.enqueue_indirect_dma source(%dma_start3A_6 : memref<30522x768xf32, #tpu.memory_space<hbm>>) target(%arg6 : memref<64x768xf32, #tpu.memory_space<vmem>>) offsets(%arg5 : memref<64xi32, #tpu.memory_space<vmem>>) semaphore(%arg7 : memref<!tpu.dma_semaphore, #tpu.memory_space<semaphore_mem>>)
    %dma_wait3A = arith.constant 0 : i32
    %dma_wait3A_7 = arith.constant 0 : i32
    %dma_wait3A_8 = tpu.memref_slice %arg2[%dma_wait3A, %dma_wait3A_7] : memref<30522x768xf32, #tpu.memory_space<hbm>> -> memref<30522x768xf32, #tpu.memory_space<hbm>>
    tpu.wait_indirect_dma semaphore(%arg7 : memref<!tpu.dma_semaphore, #tpu.memory_space<semaphore_mem>>) src(%dma_wait3A_8 : memref<30522x768xf32, #tpu.memory_space<hbm>>) dst(%arg6 : memref<64x768xf32, #tpu.memory_space<vmem>>)
    "tpu.region"() ({
      %run_scoped3A = tpu.sem_alloc : memref<!tpu.dma_semaphore, #tpu.memory_space<semaphore_mem>>
      %dma_start3A_17 = arith.constant 0 : i32
      %dma_start3A_18 = tpu.memref_slice %arg4[%add3A_4, %dma_start3A_17] : memref<4096x768xf32, #tpu.memory_space<hbm>> -> memref<64x768xf32, #tpu.memory_space<hbm>>
      %dma_start3A_19 = arith.constant 0 : i32
      %dma_start3A_20 = tpu.memref_slice %arg4[%add3A_4, %dma_start3A_19] : memref<4096x768xf32, #tpu.memory_space<hbm>> -> memref<64x768xf32, #tpu.memory_space<hbm>>
      tpu.enqueue_dma source(%arg6 : memref<64x768xf32, #tpu.memory_space<vmem>>) target(%dma_start3A_20 : memref<64x768xf32, #tpu.memory_space<hbm>>) target_semaphore(%run_scoped3A : memref<!tpu.dma_semaphore, #tpu.memory_space<semaphore_mem>>)
      %dma_wait3A_21 = arith.constant 0 : i32
      %dma_wait3A_22 = tpu.memref_slice %arg4[%add3A_4, %dma_wait3A_21] : memref<4096x768xf32, #tpu.memory_space<hbm>> -> memref<64x768xf32, #tpu.memory_space<hbm>>
      %dma_wait3A_23 = arith.constant 0 : i32
      %dma_wait3A_24 = tpu.memref_slice %arg4[%add3A_4, %dma_wait3A_23] : memref<4096x768xf32, #tpu.memory_space<hbm>> -> memref<64x768xf32, #tpu.memory_space<hbm>>
      tpu.wait_dma2 semaphore(%run_scoped3A : memref<!tpu.dma_semaphore, #tpu.memory_space<semaphore_mem>>) src(%arg6 : memref<64x768xf32, #tpu.memory_space<vmem>>) dst(%dma_wait3A_24 : memref<64x768xf32, #tpu.memory_space<hbm>>)
      tpu.yield
    }) : () -> ()
    %add3A_9 = arith.constant 64 : i32
    %add3A_10 = arith.addi %mul3A_2, %add3A_9 : i32
    "tpu.region"() ({
      %run_scoped3A = tpu.sem_alloc : memref<!tpu.dma_semaphore, #tpu.memory_space<semaphore_mem>>
      %dma_start3A_17 = tpu.memref_slice %arg3[%add3A_10] : memref<4096xi32, #tpu.memory_space<hbm>> -> memref<64xi32, #tpu.memory_space<hbm>>
      %dma_start3A_18 = tpu.memref_slice %arg3[%add3A_10] : memref<4096xi32, #tpu.memory_space<hbm>> -> memref<64xi32, #tpu.memory_space<hbm>>
      tpu.enqueue_dma source(%dma_start3A_18 : memref<64xi32, #tpu.memory_space<hbm>>) target(%arg5 : memref<64xi32, #tpu.memory_space<vmem>>) target_semaphore(%run_scoped3A : memref<!tpu.dma_semaphore, #tpu.memory_space<semaphore_mem>>)
      %dma_wait3A_19 = tpu.memref_slice %arg3[%add3A_10] : memref<4096xi32, #tpu.memory_space<hbm>> -> memref<64xi32, #tpu.memory_space<hbm>>
      %dma_wait3A_20 = tpu.memref_slice %arg3[%add3A_10] : memref<4096xi32, #tpu.memory_space<hbm>> -> memref<64xi32, #tpu.memory_space<hbm>>
      tpu.wait_dma2 semaphore(%run_scoped3A : memref<!tpu.dma_semaphore, #tpu.memory_space<semaphore_mem>>) src(%dma_wait3A_20 : memref<64xi32, #tpu.memory_space<hbm>>) dst(%arg5 : memref<64xi32, #tpu.memory_space<vmem>>)
      tpu.yield
    }) : () -> ()
    %dma_start3A_11 = arith.constant 0 : i32
    %dma_start3A_12 = arith.constant 0 : i32
    %dma_start3A_13 = tpu.memref_slice %arg2[%dma_start3A_11, %dma_start3A_12] : memref<30522x768xf32, #tpu.memory_space<hbm>> -> memref<30522x768xf32, #tpu.memory_space<hbm>>
    tpu.enqueue_indirect_dma source(%dma_start3A_13 : memref<30522x768xf32, #tpu.memory_space<hbm>>) target(%arg6 : memref<64x768xf32, #tpu.memory_space<vmem>>) offsets(%arg5 : memref<64xi32, #tpu.memory_space<vmem>>) semaphore(%arg7 : memref<!tpu.dma_semaphore, #tpu.memory_space<semaphore_mem>>)
    %dma_wait3A_14 = arith.constant 0 : i32
    %dma_wait3A_15 = arith.constant 0 : i32
    %dma_wait3A_16 = tpu.memref_slice %arg2[%dma_wait3A_14, %dma_wait3A_15] : memref<30522x768xf32, #tpu.memory_space<hbm>> -> memref<30522x768xf32, #tpu.memory_space<hbm>>
    tpu.wait_indirect_dma semaphore(%arg7 : memref<!tpu.dma_semaphore, #tpu.memory_space<semaphore_mem>>) src(%dma_wait3A_16 : memref<30522x768xf32, #tpu.memory_space<hbm>>) dst(%arg6 : memref<64x768xf32, #tpu.memory_space<vmem>>)
    "tpu.region"() ({
      %run_scoped3A = tpu.sem_alloc : memref<!tpu.dma_semaphore, #tpu.memory_space<semaphore_mem>>
      %dma_start3A_17 = arith.constant 0 : i32
      %dma_start3A_18 = tpu.memref_slice %arg4[%add3A_10, %dma_start3A_17] : memref<4096x768xf32, #tpu.memory_space<hbm>> -> memref<64x768xf32, #tpu.memory_space<hbm>>
      %dma_start3A_19 = arith.constant 0 : i32
      %dma_start3A_20 = tpu.memref_slice %arg4[%add3A_10, %dma_start3A_19] : memref<4096x768xf32, #tpu.memory_space<hbm>> -> memref<64x768xf32, #tpu.memory_space<hbm>>
      tpu.enqueue_dma source(%arg6 : memref<64x768xf32, #tpu.memory_space<vmem>>) target(%dma_start3A_20 : memref<64x768xf32, #tpu.memory_space<hbm>>) target_semaphore(%run_scoped3A : memref<!tpu.dma_semaphore, #tpu.memory_space<semaphore_mem>>)
      %dma_wait3A_21 = arith.constant 0 : i32
      %dma_wait3A_22 = tpu.memref_slice %arg4[%add3A_10, %dma_wait3A_21] : memref<4096x768xf32, #tpu.memory_space<hbm>> -> memref<64x768xf32, #tpu.memory_space<hbm>>
      %dma_wait3A_23 = arith.constant 0 : i32
      %dma_wait3A_24 = tpu.memref_slice %arg4[%add3A_10, %dma_wait3A_23] : memref<4096x768xf32, #tpu.memory_space<hbm>> -> memref<64x768xf32, #tpu.memory_space<hbm>>
      tpu.wait_dma2 semaphore(%run_scoped3A : memref<!tpu.dma_semaphore, #tpu.memory_space<semaphore_mem>>) src(%arg6 : memref<64x768xf32, #tpu.memory_space<vmem>>) dst(%dma_wait3A_24 : memref<64x768xf32, #tpu.memory_space<hbm>>)
      tpu.yield
    }) : () -> ()
    return
  }
}

#map = affine_map<(d0, d1) -> (0, 0)>
#map1 = affine_map<(d0, d1) -> (0)>
module attributes {stable_mosaic.version = 14 : i64} {
  func.func @_sc_gather_body(%arg0: i32, %arg1: i32, %arg2: memref<30522x768xf32, #tpu.memory_space<hbm>>, %arg3: memref<4096xi32, #tpu.memory_space<hbm>>, %arg4: memref<4096x768xf32, #tpu.memory_space<hbm>>, %arg5: memref<64xi32, #tpu.memory_space<vmem>>, %arg6: memref<64x768xf32, #tpu.memory_space<vmem>>, %arg7: memref<!tpu.dma_semaphore, #tpu.memory_space<semaphore_mem>>) attributes {dimension_semantics = [#tpu.dimension_semantics<core_parallel>, #tpu.dimension_semantics<subcore_parallel>], iteration_bounds = array<i64: 2, 16>, scalar_prefetch = 0 : i64, scratch_operands = 3 : i64, tpu.core_type = #tpu.core_type<sc_vector_subcore>, window_params = [{transform_indices = #map}, {transform_indices = #map1}, {transform_indices = #map}]} {
    %mul3A = arith.constant 2 : i32
    %mul3A_0 = arith.muli %arg1, %mul3A : i32
    %add3A = arith.addi %mul3A_0, %arg0 : i32
    %mul3A_1 = arith.constant 128 : i32
    %mul3A_2 = arith.muli %add3A, %mul3A_1 : i32
    %add3A_3 = arith.constant 0 : i32
    %add3A_4 = arith.addi %mul3A_2, %add3A_3 : i32
    "tpu.region"() ({
      %run_scoped3A = tpu.sem_alloc : memref<!tpu.dma_semaphore, #tpu.memory_space<semaphore_mem>>
      %dma_start3A_17 = tpu.memref_slice %arg3[%add3A_4] : memref<4096xi32, #tpu.memory_space<hbm>> -> memref<64xi32, #tpu.memory_space<hbm>>
      %dma_start3A_18 = tpu.memref_slice %arg3[%add3A_4] : memref<4096xi32, #tpu.memory_space<hbm>> -> memref<64xi32, #tpu.memory_space<hbm>>
      tpu.enqueue_dma source(%dma_start3A_18 : memref<64xi32, #tpu.memory_space<hbm>>) target(%arg5 : memref<64xi32, #tpu.memory_space<vmem>>) target_semaphore(%run_scoped3A : memref<!tpu.dma_semaphore, #tpu.memory_space<semaphore_mem>>)
      %dma_wait3A_19 = tpu.memref_slice %arg3[%add3A_4] : memref<4096xi32, #tpu.memory_space<hbm>> -> memref<64xi32, #tpu.memory_space<hbm>>
      %dma_wait3A_20 = tpu.memref_slice %arg3[%add3A_4] : memref<4096xi32, #tpu.memory_space<hbm>> -> memref<64xi32, #tpu.memory_space<hbm>>
      tpu.wait_dma2 semaphore(%run_scoped3A : memref<!tpu.dma_semaphore, #tpu.memory_space<semaphore_mem>>) src(%dma_wait3A_20 : memref<64xi32, #tpu.memory_space<hbm>>) dst(%arg5 : memref<64xi32, #tpu.memory_space<vmem>>)
      tpu.yield
    }) : () -> ()
    %dma_start3A = arith.constant 0 : i32
    %dma_start3A_5 = arith.constant 0 : i32
    %dma_start3A_6 = tpu.memref_slice %arg2[%dma_start3A, %dma_start3A_5] : memref<30522x768xf32, #tpu.memory_space<hbm>> -> memref<30522x768xf32, #tpu.memory_space<hbm>>
    tpu.enqueue_indirect_dma source(%dma_start3A_6 : memref<30522x768xf32, #tpu.memory_space<hbm>>) target(%arg6 : memref<64x768xf32, #tpu.memory_space<vmem>>) offsets(%arg5 : memref<64xi32, #tpu.memory_space<vmem>>) semaphore(%arg7 : memref<!tpu.dma_semaphore, #tpu.memory_space<semaphore_mem>>)
    %dma_wait3A = arith.constant 0 : i32
    %dma_wait3A_7 = arith.constant 0 : i32
    %dma_wait3A_8 = tpu.memref_slice %arg2[%dma_wait3A, %dma_wait3A_7] : memref<30522x768xf32, #tpu.memory_space<hbm>> -> memref<30522x768xf32, #tpu.memory_space<hbm>>
    tpu.wait_indirect_dma semaphore(%arg7 : memref<!tpu.dma_semaphore, #tpu.memory_space<semaphore_mem>>) src(%dma_wait3A_8 : memref<30522x768xf32, #tpu.memory_space<hbm>>) dst(%arg6 : memref<64x768xf32, #tpu.memory_space<vmem>>)
    "tpu.region"() ({
      %run_scoped3A = tpu.sem_alloc : memref<!tpu.dma_semaphore, #tpu.memory_space<semaphore_mem>>
      %dma_start3A_17 = arith.constant 0 : i32
      %dma_start3A_18 = tpu.memref_slice %arg4[%add3A_4, %dma_start3A_17] : memref<4096x768xf32, #tpu.memory_space<hbm>> -> memref<64x768xf32, #tpu.memory_space<hbm>>
      %dma_start3A_19 = arith.constant 0 : i32
      %dma_start3A_20 = tpu.memref_slice %arg4[%add3A_4, %dma_start3A_19] : memref<4096x768xf32, #tpu.memory_space<hbm>> -> memref<64x768xf32, #tpu.memory_space<hbm>>
      tpu.enqueue_dma source(%arg6 : memref<64x768xf32, #tpu.memory_space<vmem>>) target(%dma_start3A_20 : memref<64x768xf32, #tpu.memory_space<hbm>>) target_semaphore(%run_scoped3A : memref<!tpu.dma_semaphore, #tpu.memory_space<semaphore_mem>>)
      %dma_wait3A_21 = arith.constant 0 : i32
      %dma_wait3A_22 = tpu.memref_slice %arg4[%add3A_4, %dma_wait3A_21] : memref<4096x768xf32, #tpu.memory_space<hbm>> -> memref<64x768xf32, #tpu.memory_space<hbm>>
      %dma_wait3A_23 = arith.constant 0 : i32
      %dma_wait3A_24 = tpu.memref_slice %arg4[%add3A_4, %dma_wait3A_23] : memref<4096x768xf32, #tpu.memory_space<hbm>> -> memref<64x768xf32, #tpu.memory_space<hbm>>
      tpu.wait_dma2 semaphore(%run_scoped3A : memref<!tpu.dma_semaphore, #tpu.memory_space<semaphore_mem>>) src(%arg6 : memref<64x768xf32, #tpu.memory_space<vmem>>) dst(%dma_wait3A_24 : memref<64x768xf32, #tpu.memory_space<hbm>>)
      tpu.yield
    }) : () -> ()
    %add3A_9 = arith.constant 64 : i32
    %add3A_10 = arith.addi %mul3A_2, %add3A_9 : i32
    "tpu.region"() ({
      %run_scoped3A = tpu.sem_alloc : memref<!tpu.dma_semaphore, #tpu.memory_space<semaphore_mem>>
      %dma_start3A_17 = tpu.memref_slice %arg3[%add3A_10] : memref<4096xi32, #tpu.memory_space<hbm>> -> memref<64xi32, #tpu.memory_space<hbm>>
      %dma_start3A_18 = tpu.memref_slice %arg3[%add3A_10] : memref<4096xi32, #tpu.memory_space<hbm>> -> memref<64xi32, #tpu.memory_space<hbm>>
      tpu.enqueue_dma source(%dma_start3A_18 : memref<64xi32, #tpu.memory_space<hbm>>) target(%arg5 : memref<64xi32, #tpu.memory_space<vmem>>) target_semaphore(%run_scoped3A : memref<!tpu.dma_semaphore, #tpu.memory_space<semaphore_mem>>)
      %dma_wait3A_19 = tpu.memref_slice %arg3[%add3A_10] : memref<4096xi32, #tpu.memory_space<hbm>> -> memref<64xi32, #tpu.memory_space<hbm>>
      %dma_wait3A_20 = tpu.memref_slice %arg3[%add3A_10] : memref<4096xi32, #tpu.memory_space<hbm>> -> memref<64xi32, #tpu.memory_space<hbm>>
      tpu.wait_dma2 semaphore(%run_scoped3A : memref<!tpu.dma_semaphore, #tpu.memory_space<semaphore_mem>>) src(%dma_wait3A_20 : memref<64xi32, #tpu.memory_space<hbm>>) dst(%arg5 : memref<64xi32, #tpu.memory_space<vmem>>)
      tpu.yield
    }) : () -> ()
    %dma_start3A_11 = arith.constant 0 : i32
    %dma_start3A_12 = arith.constant 0 : i32
    %dma_start3A_13 = tpu.memref_slice %arg2[%dma_start3A_11, %dma_start3A_12] : memref<30522x768xf32, #tpu.memory_space<hbm>> -> memref<30522x768xf32, #tpu.memory_space<hbm>>
    tpu.enqueue_indirect_dma source(%dma_start3A_13 : memref<30522x768xf32, #tpu.memory_space<hbm>>) target(%arg6 : memref<64x768xf32, #tpu.memory_space<vmem>>) offsets(%arg5 : memref<64xi32, #tpu.memory_space<vmem>>) semaphore(%arg7 : memref<!tpu.dma_semaphore, #tpu.memory_space<semaphore_mem>>)
    %dma_wait3A_14 = arith.constant 0 : i32
    %dma_wait3A_15 = arith.constant 0 : i32
    %dma_wait3A_16 = tpu.memref_slice %arg2[%dma_wait3A_14, %dma_wait3A_15] : memref<30522x768xf32, #tpu.memory_space<hbm>> -> memref<30522x768xf32, #tpu.memory_space<hbm>>
    tpu.wait_indirect_dma semaphore(%arg7 : memref<!tpu.dma_semaphore, #tpu.memory_space<semaphore_mem>>) src(%dma_wait3A_16 : memref<30522x768xf32, #tpu.memory_space<hbm>>) dst(%arg6 : memref<64x768xf32, #tpu.memory_space<vmem>>)
    "tpu.region"() ({
      %run_scoped3A = tpu.sem_alloc : memref<!tpu.dma_semaphore, #tpu.memory_space<semaphore_mem>>
      %dma_start3A_17 = arith.constant 0 : i32
      %dma_start3A_18 = tpu.memref_slice %arg4[%add3A_10, %dma_start3A_17] : memref<4096x768xf32, #tpu.memory_space<hbm>> -> memref<64x768xf32, #tpu.memory_space<hbm>>
      %dma_start3A_19 = arith.constant 0 : i32
      %dma_start3A_20 = tpu.memref_slice %arg4[%add3A_10, %dma_start3A_19] : memref<4096x768xf32, #tpu.memory_space<hbm>> -> memref<64x768xf32, #tpu.memory_space<hbm>>
      tpu.enqueue_dma source(%arg6 : memref<64x768xf32, #tpu.memory_space<vmem>>) target(%dma_start3A_20 : memref<64x768xf32, #tpu.memory_space<hbm>>) target_semaphore(%run_scoped3A : memref<!tpu.dma_semaphore, #tpu.memory_space<semaphore_mem>>)
      %dma_wait3A_21 = arith.constant 0 : i32
      %dma_wait3A_22 = tpu.memref_slice %arg4[%add3A_10, %dma_wait3A_21] : memref<4096x768xf32, #tpu.memory_space<hbm>> -> memref<64x768xf32, #tpu.memory_space<hbm>>
      %dma_wait3A_23 = arith.constant 0 : i32
      %dma_wait3A_24 = tpu.memref_slice %arg4[%add3A_10, %dma_wait3A_23] : memref<4096x768xf32, #tpu.memory_space<hbm>> -> memref<64x768xf32, #tpu.memory_space<hbm>>
      tpu.wait_dma2 semaphore(%run_scoped3A : memref<!tpu.dma_semaphore, #tpu.memory_space<semaphore_mem>>) src(%arg6 : memref<64x768xf32, #tpu.memory_space<vmem>>) dst(%dma_wait3A_24 : memref<64x768xf32, #tpu.memory_space<hbm>>)
      tpu.yield
    }) : () -> ()
    return
  }
}

#map = affine_map<(d0, d1) -> (0, 0)>
#map1 = affine_map<(d0, d1) -> (0)>
module attributes {stable_mosaic.version = 14 : i64} {
  func.func @_sc_gather_body(%arg0: i32, %arg1: i32, %arg2: memref<30522x768xf32, #tpu.memory_space<hbm>>, %arg3: memref<4096xi32, #tpu.memory_space<hbm>>, %arg4: memref<4096x768xf32, #tpu.memory_space<hbm>>, %arg5: memref<64xi32, #tpu.memory_space<vmem>>, %arg6: memref<64x768xf32, #tpu.memory_space<vmem>>, %arg7: memref<!tpu.dma_semaphore, #tpu.memory_space<semaphore_mem>>) attributes {dimension_semantics = [#tpu.dimension_semantics<core_parallel>, #tpu.dimension_semantics<subcore_parallel>], iteration_bounds = array<i64: 2, 16>, scalar_prefetch = 0 : i64, scratch_operands = 3 : i64, tpu.core_type = #tpu.core_type<sc_vector_subcore>, window_params = [{transform_indices = #map}, {transform_indices = #map1}, {transform_indices = #map}]} {
    %mul3A = arith.constant 2 : i32
    %mul3A_0 = arith.muli %arg1, %mul3A : i32
    %add3A = arith.addi %mul3A_0, %arg0 : i32
    %mul3A_1 = arith.constant 128 : i32
    %mul3A_2 = arith.muli %add3A, %mul3A_1 : i32
    %add3A_3 = arith.constant 0 : i32
    %add3A_4 = arith.addi %mul3A_2, %add3A_3 : i32
    "tpu.region"() ({
      %run_scoped3A = tpu.sem_alloc : memref<!tpu.dma_semaphore, #tpu.memory_space<semaphore_mem>>
      %dma_start3A_17 = tpu.memref_slice %arg3[%add3A_4] : memref<4096xi32, #tpu.memory_space<hbm>> -> memref<64xi32, #tpu.memory_space<hbm>>
      %dma_start3A_18 = tpu.memref_slice %arg3[%add3A_4] : memref<4096xi32, #tpu.memory_space<hbm>> -> memref<64xi32, #tpu.memory_space<hbm>>
      tpu.enqueue_dma source(%dma_start3A_18 : memref<64xi32, #tpu.memory_space<hbm>>) target(%arg5 : memref<64xi32, #tpu.memory_space<vmem>>) target_semaphore(%run_scoped3A : memref<!tpu.dma_semaphore, #tpu.memory_space<semaphore_mem>>)
      %dma_wait3A_19 = tpu.memref_slice %arg3[%add3A_4] : memref<4096xi32, #tpu.memory_space<hbm>> -> memref<64xi32, #tpu.memory_space<hbm>>
      %dma_wait3A_20 = tpu.memref_slice %arg3[%add3A_4] : memref<4096xi32, #tpu.memory_space<hbm>> -> memref<64xi32, #tpu.memory_space<hbm>>
      tpu.wait_dma2 semaphore(%run_scoped3A : memref<!tpu.dma_semaphore, #tpu.memory_space<semaphore_mem>>) src(%dma_wait3A_20 : memref<64xi32, #tpu.memory_space<hbm>>) dst(%arg5 : memref<64xi32, #tpu.memory_space<vmem>>)
      tpu.yield
    }) : () -> ()
    %dma_start3A = arith.constant 0 : i32
    %dma_start3A_5 = arith.constant 0 : i32
    %dma_start3A_6 = tpu.memref_slice %arg2[%dma_start3A, %dma_start3A_5] : memref<30522x768xf32, #tpu.memory_space<hbm>> -> memref<30522x768xf32, #tpu.memory_space<hbm>>
    tpu.enqueue_indirect_dma source(%dma_start3A_6 : memref<30522x768xf32, #tpu.memory_space<hbm>>) target(%arg6 : memref<64x768xf32, #tpu.memory_space<vmem>>) offsets(%arg5 : memref<64xi32, #tpu.memory_space<vmem>>) semaphore(%arg7 : memref<!tpu.dma_semaphore, #tpu.memory_space<semaphore_mem>>)
    %dma_wait3A = arith.constant 0 : i32
    %dma_wait3A_7 = arith.constant 0 : i32
    %dma_wait3A_8 = tpu.memref_slice %arg2[%dma_wait3A, %dma_wait3A_7] : memref<30522x768xf32, #tpu.memory_space<hbm>> -> memref<30522x768xf32, #tpu.memory_space<hbm>>
    tpu.wait_indirect_dma semaphore(%arg7 : memref<!tpu.dma_semaphore, #tpu.memory_space<semaphore_mem>>) src(%dma_wait3A_8 : memref<30522x768xf32, #tpu.memory_space<hbm>>) dst(%arg6 : memref<64x768xf32, #tpu.memory_space<vmem>>)
    "tpu.region"() ({
      %run_scoped3A = tpu.sem_alloc : memref<!tpu.dma_semaphore, #tpu.memory_space<semaphore_mem>>
      %dma_start3A_17 = arith.constant 0 : i32
      %dma_start3A_18 = tpu.memref_slice %arg4[%add3A_4, %dma_start3A_17] : memref<4096x768xf32, #tpu.memory_space<hbm>> -> memref<64x768xf32, #tpu.memory_space<hbm>>
      %dma_start3A_19 = arith.constant 0 : i32
      %dma_start3A_20 = tpu.memref_slice %arg4[%add3A_4, %dma_start3A_19] : memref<4096x768xf32, #tpu.memory_space<hbm>> -> memref<64x768xf32, #tpu.memory_space<hbm>>
      tpu.enqueue_dma source(%arg6 : memref<64x768xf32, #tpu.memory_space<vmem>>) target(%dma_start3A_20 : memref<64x768xf32, #tpu.memory_space<hbm>>) target_semaphore(%run_scoped3A : memref<!tpu.dma_semaphore, #tpu.memory_space<semaphore_mem>>)
      %dma_wait3A_21 = arith.constant 0 : i32
      %dma_wait3A_22 = tpu.memref_slice %arg4[%add3A_4, %dma_wait3A_21] : memref<4096x768xf32, #tpu.memory_space<hbm>> -> memref<64x768xf32, #tpu.memory_space<hbm>>
      %dma_wait3A_23 = arith.constant 0 : i32
      %dma_wait3A_24 = tpu.memref_slice %arg4[%add3A_4, %dma_wait3A_23] : memref<4096x768xf32, #tpu.memory_space<hbm>> -> memref<64x768xf32, #tpu.memory_space<hbm>>
      tpu.wait_dma2 semaphore(%run_scoped3A : memref<!tpu.dma_semaphore, #tpu.memory_space<semaphore_mem>>) src(%arg6 : memref<64x768xf32, #tpu.memory_space<vmem>>) dst(%dma_wait3A_24 : memref<64x768xf32, #tpu.memory_space<hbm>>)
      tpu.yield
    }) : () -> ()
    %add3A_9 = arith.constant 64 : i32
    %add3A_10 = arith.addi %mul3A_2, %add3A_9 : i32
    "tpu.region"() ({
      %run_scoped3A = tpu.sem_alloc : memref<!tpu.dma_semaphore, #tpu.memory_space<semaphore_mem>>
      %dma_start3A_17 = tpu.memref_slice %arg3[%add3A_10] : memref<4096xi32, #tpu.memory_space<hbm>> -> memref<64xi32, #tpu.memory_space<hbm>>
      %dma_start3A_18 = tpu.memref_slice %arg3[%add3A_10] : memref<4096xi32, #tpu.memory_space<hbm>> -> memref<64xi32, #tpu.memory_space<hbm>>
      tpu.enqueue_dma source(%dma_start3A_18 : memref<64xi32, #tpu.memory_space<hbm>>) target(%arg5 : memref<64xi32, #tpu.memory_space<vmem>>) target_semaphore(%run_scoped3A : memref<!tpu.dma_semaphore, #tpu.memory_space<semaphore_mem>>)
      %dma_wait3A_19 = tpu.memref_slice %arg3[%add3A_10] : memref<4096xi32, #tpu.memory_space<hbm>> -> memref<64xi32, #tpu.memory_space<hbm>>
      %dma_wait3A_20 = tpu.memref_slice %arg3[%add3A_10] : memref<4096xi32, #tpu.memory_space<hbm>> -> memref<64xi32, #tpu.memory_space<hbm>>
      tpu.wait_dma2 semaphore(%run_scoped3A : memref<!tpu.dma_semaphore, #tpu.memory_space<semaphore_mem>>) src(%dma_wait3A_20 : memref<64xi32, #tpu.memory_space<hbm>>) dst(%arg5 : memref<64xi32, #tpu.memory_space<vmem>>)
      tpu.yield
    }) : () -> ()
    %dma_start3A_11 = arith.constant 0 : i32
    %dma_start3A_12 = arith.constant 0 : i32
    %dma_start3A_13 = tpu.memref_slice %arg2[%dma_start3A_11, %dma_start3A_12] : memref<30522x768xf32, #tpu.memory_space<hbm>> -> memref<30522x768xf32, #tpu.memory_space<hbm>>
    tpu.enqueue_indirect_dma source(%dma_start3A_13 : memref<30522x768xf32, #tpu.memory_space<hbm>>) target(%arg6 : memref<64x768xf32, #tpu.memory_space<vmem>>) offsets(%arg5 : memref<64xi32, #tpu.memory_space<vmem>>) semaphore(%arg7 : memref<!tpu.dma_semaphore, #tpu.memory_space<semaphore_mem>>)
    %dma_wait3A_14 = arith.constant 0 : i32
    %dma_wait3A_15 = arith.constant 0 : i32
    %dma_wait3A_16 = tpu.memref_slice %arg2[%dma_wait3A_14, %dma_wait3A_15] : memref<30522x768xf32, #tpu.memory_space<hbm>> -> memref<30522x768xf32, #tpu.memory_space<hbm>>
    tpu.wait_indirect_dma semaphore(%arg7 : memref<!tpu.dma_semaphore, #tpu.memory_space<semaphore_mem>>) src(%dma_wait3A_16 : memref<30522x768xf32, #tpu.memory_space<hbm>>) dst(%arg6 : memref<64x768xf32, #tpu.memory_space<vmem>>)
    "tpu.region"() ({
      %run_scoped3A = tpu.sem_alloc : memref<!tpu.dma_semaphore, #tpu.memory_space<semaphore_mem>>
      %dma_start3A_17 = arith.constant 0 : i32
      %dma_start3A_18 = tpu.memref_slice %arg4[%add3A_10, %dma_start3A_17] : memref<4096x768xf32, #tpu.memory_space<hbm>> -> memref<64x768xf32, #tpu.memory_space<hbm>>
      %dma_start3A_19 = arith.constant 0 : i32
      %dma_start3A_20 = tpu.memref_slice %arg4[%add3A_10, %dma_start3A_19] : memref<4096x768xf32, #tpu.memory_space<hbm>> -> memref<64x768xf32, #tpu.memory_space<hbm>>
      tpu.enqueue_dma source(%arg6 : memref<64x768xf32, #tpu.memory_space<vmem>>) target(%dma_start3A_20 : memref<64x768xf32, #tpu.memory_space<hbm>>) target_semaphore(%run_scoped3A : memref<!tpu.dma_semaphore, #tpu.memory_space<semaphore_mem>>)
      %dma_wait3A_21 = arith.constant 0 : i32
      %dma_wait3A_22 = tpu.memref_slice %arg4[%add3A_10, %dma_wait3A_21] : memref<4096x768xf32, #tpu.memory_space<hbm>> -> memref<64x768xf32, #tpu.memory_space<hbm>>
      %dma_wait3A_23 = arith.constant 0 : i32
      %dma_wait3A_24 = tpu.memref_slice %arg4[%add3A_10, %dma_wait3A_23] : memref<4096x768xf32, #tpu.memory_space<hbm>> -> memref<64x768xf32, #tpu.memory_space<hbm>>
      tpu.wait_dma2 semaphore(%run_scoped3A : memref<!tpu.dma_semaphore, #tpu.memory_space<semaphore_mem>>) src(%arg6 : memref<64x768xf32, #tpu.memory_space<vmem>>) dst(%dma_wait3A_24 : memref<64x768xf32, #tpu.memory_space<hbm>>)
      tpu.yield
    }) : () -> ()
    return
  }
}

#map = affine_map<(d0, d1) -> (0, 0)>
#map1 = affine_map<(d0, d1) -> (0)>
module attributes {stable_mosaic.version = 14 : i64} {
  func.func @_sc_gather_body(%arg0: i32, %arg1: i32, %arg2: memref<30522x768xf32, #tpu.memory_space<hbm>>, %arg3: memref<4096xi32, #tpu.memory_space<hbm>>, %arg4: memref<4096x768xf32, #tpu.memory_space<hbm>>, %arg5: memref<64xi32, #tpu.memory_space<vmem>>, %arg6: memref<64x768xf32, #tpu.memory_space<vmem>>, %arg7: memref<!tpu.dma_semaphore, #tpu.memory_space<semaphore_mem>>) attributes {dimension_semantics = [#tpu.dimension_semantics<core_parallel>, #tpu.dimension_semantics<subcore_parallel>], iteration_bounds = array<i64: 2, 16>, scalar_prefetch = 0 : i64, scratch_operands = 3 : i64, tpu.core_type = #tpu.core_type<sc_vector_subcore>, window_params = [{transform_indices = #map}, {transform_indices = #map1}, {transform_indices = #map}]} {
    %mul3A = arith.constant 2 : i32
    %mul3A_0 = arith.muli %arg1, %mul3A : i32
    %add3A = arith.addi %mul3A_0, %arg0 : i32
    %mul3A_1 = arith.constant 128 : i32
    %mul3A_2 = arith.muli %add3A, %mul3A_1 : i32
    %add3A_3 = arith.constant 0 : i32
    %add3A_4 = arith.addi %mul3A_2, %add3A_3 : i32
    "tpu.region"() ({
      %run_scoped3A = tpu.sem_alloc : memref<!tpu.dma_semaphore, #tpu.memory_space<semaphore_mem>>
      %dma_start3A_17 = tpu.memref_slice %arg3[%add3A_4] : memref<4096xi32, #tpu.memory_space<hbm>> -> memref<64xi32, #tpu.memory_space<hbm>>
      %dma_start3A_18 = tpu.memref_slice %arg3[%add3A_4] : memref<4096xi32, #tpu.memory_space<hbm>> -> memref<64xi32, #tpu.memory_space<hbm>>
      tpu.enqueue_dma source(%dma_start3A_18 : memref<64xi32, #tpu.memory_space<hbm>>) target(%arg5 : memref<64xi32, #tpu.memory_space<vmem>>) target_semaphore(%run_scoped3A : memref<!tpu.dma_semaphore, #tpu.memory_space<semaphore_mem>>)
      %dma_wait3A_19 = tpu.memref_slice %arg3[%add3A_4] : memref<4096xi32, #tpu.memory_space<hbm>> -> memref<64xi32, #tpu.memory_space<hbm>>
      %dma_wait3A_20 = tpu.memref_slice %arg3[%add3A_4] : memref<4096xi32, #tpu.memory_space<hbm>> -> memref<64xi32, #tpu.memory_space<hbm>>
      tpu.wait_dma2 semaphore(%run_scoped3A : memref<!tpu.dma_semaphore, #tpu.memory_space<semaphore_mem>>) src(%dma_wait3A_20 : memref<64xi32, #tpu.memory_space<hbm>>) dst(%arg5 : memref<64xi32, #tpu.memory_space<vmem>>)
      tpu.yield
    }) : () -> ()
    %dma_start3A = arith.constant 0 : i32
    %dma_start3A_5 = arith.constant 0 : i32
    %dma_start3A_6 = tpu.memref_slice %arg2[%dma_start3A, %dma_start3A_5] : memref<30522x768xf32, #tpu.memory_space<hbm>> -> memref<30522x768xf32, #tpu.memory_space<hbm>>
    tpu.enqueue_indirect_dma source(%dma_start3A_6 : memref<30522x768xf32, #tpu.memory_space<hbm>>) target(%arg6 : memref<64x768xf32, #tpu.memory_space<vmem>>) offsets(%arg5 : memref<64xi32, #tpu.memory_space<vmem>>) semaphore(%arg7 : memref<!tpu.dma_semaphore, #tpu.memory_space<semaphore_mem>>)
    %dma_wait3A = arith.constant 0 : i32
    %dma_wait3A_7 = arith.constant 0 : i32
    %dma_wait3A_8 = tpu.memref_slice %arg2[%dma_wait3A, %dma_wait3A_7] : memref<30522x768xf32, #tpu.memory_space<hbm>> -> memref<30522x768xf32, #tpu.memory_space<hbm>>
    tpu.wait_indirect_dma semaphore(%arg7 : memref<!tpu.dma_semaphore, #tpu.memory_space<semaphore_mem>>) src(%dma_wait3A_8 : memref<30522x768xf32, #tpu.memory_space<hbm>>) dst(%arg6 : memref<64x768xf32, #tpu.memory_space<vmem>>)
    "tpu.region"() ({
      %run_scoped3A = tpu.sem_alloc : memref<!tpu.dma_semaphore, #tpu.memory_space<semaphore_mem>>
      %dma_start3A_17 = arith.constant 0 : i32
      %dma_start3A_18 = tpu.memref_slice %arg4[%add3A_4, %dma_start3A_17] : memref<4096x768xf32, #tpu.memory_space<hbm>> -> memref<64x768xf32, #tpu.memory_space<hbm>>
      %dma_start3A_19 = arith.constant 0 : i32
      %dma_start3A_20 = tpu.memref_slice %arg4[%add3A_4, %dma_start3A_19] : memref<4096x768xf32, #tpu.memory_space<hbm>> -> memref<64x768xf32, #tpu.memory_space<hbm>>
      tpu.enqueue_dma source(%arg6 : memref<64x768xf32, #tpu.memory_space<vmem>>) target(%dma_start3A_20 : memref<64x768xf32, #tpu.memory_space<hbm>>) target_semaphore(%run_scoped3A : memref<!tpu.dma_semaphore, #tpu.memory_space<semaphore_mem>>)
      %dma_wait3A_21 = arith.constant 0 : i32
      %dma_wait3A_22 = tpu.memref_slice %arg4[%add3A_4, %dma_wait3A_21] : memref<4096x768xf32, #tpu.memory_space<hbm>> -> memref<64x768xf32, #tpu.memory_space<hbm>>
      %dma_wait3A_23 = arith.constant 0 : i32
      %dma_wait3A_24 = tpu.memref_slice %arg4[%add3A_4, %dma_wait3A_23] : memref<4096x768xf32, #tpu.memory_space<hbm>> -> memref<64x768xf32, #tpu.memory_space<hbm>>
      tpu.wait_dma2 semaphore(%run_scoped3A : memref<!tpu.dma_semaphore, #tpu.memory_space<semaphore_mem>>) src(%arg6 : memref<64x768xf32, #tpu.memory_space<vmem>>) dst(%dma_wait3A_24 : memref<64x768xf32, #tpu.memory_space<hbm>>)
      tpu.yield
    }) : () -> ()
    %add3A_9 = arith.constant 64 : i32
    %add3A_10 = arith.addi %mul3A_2, %add3A_9 : i32
    "tpu.region"() ({
      %run_scoped3A = tpu.sem_alloc : memref<!tpu.dma_semaphore, #tpu.memory_space<semaphore_mem>>
      %dma_start3A_17 = tpu.memref_slice %arg3[%add3A_10] : memref<4096xi32, #tpu.memory_space<hbm>> -> memref<64xi32, #tpu.memory_space<hbm>>
      %dma_start3A_18 = tpu.memref_slice %arg3[%add3A_10] : memref<4096xi32, #tpu.memory_space<hbm>> -> memref<64xi32, #tpu.memory_space<hbm>>
      tpu.enqueue_dma source(%dma_start3A_18 : memref<64xi32, #tpu.memory_space<hbm>>) target(%arg5 : memref<64xi32, #tpu.memory_space<vmem>>) target_semaphore(%run_scoped3A : memref<!tpu.dma_semaphore, #tpu.memory_space<semaphore_mem>>)
      %dma_wait3A_19 = tpu.memref_slice %arg3[%add3A_10] : memref<4096xi32, #tpu.memory_space<hbm>> -> memref<64xi32, #tpu.memory_space<hbm>>
      %dma_wait3A_20 = tpu.memref_slice %arg3[%add3A_10] : memref<4096xi32, #tpu.memory_space<hbm>> -> memref<64xi32, #tpu.memory_space<hbm>>
      tpu.wait_dma2 semaphore(%run_scoped3A : memref<!tpu.dma_semaphore, #tpu.memory_space<semaphore_mem>>) src(%dma_wait3A_20 : memref<64xi32, #tpu.memory_space<hbm>>) dst(%arg5 : memref<64xi32, #tpu.memory_space<vmem>>)
      tpu.yield
    }) : () -> ()
    %dma_start3A_11 = arith.constant 0 : i32
    %dma_start3A_12 = arith.constant 0 : i32
    %dma_start3A_13 = tpu.memref_slice %arg2[%dma_start3A_11, %dma_start3A_12] : memref<30522x768xf32, #tpu.memory_space<hbm>> -> memref<30522x768xf32, #tpu.memory_space<hbm>>
    tpu.enqueue_indirect_dma source(%dma_start3A_13 : memref<30522x768xf32, #tpu.memory_space<hbm>>) target(%arg6 : memref<64x768xf32, #tpu.memory_space<vmem>>) offsets(%arg5 : memref<64xi32, #tpu.memory_space<vmem>>) semaphore(%arg7 : memref<!tpu.dma_semaphore, #tpu.memory_space<semaphore_mem>>)
    %dma_wait3A_14 = arith.constant 0 : i32
    %dma_wait3A_15 = arith.constant 0 : i32
    %dma_wait3A_16 = tpu.memref_slice %arg2[%dma_wait3A_14, %dma_wait3A_15] : memref<30522x768xf32, #tpu.memory_space<hbm>> -> memref<30522x768xf32, #tpu.memory_space<hbm>>
    tpu.wait_indirect_dma semaphore(%arg7 : memref<!tpu.dma_semaphore, #tpu.memory_space<semaphore_mem>>) src(%dma_wait3A_16 : memref<30522x768xf32, #tpu.memory_space<hbm>>) dst(%arg6 : memref<64x768xf32, #tpu.memory_space<vmem>>)
    "tpu.region"() ({
      %run_scoped3A = tpu.sem_alloc : memref<!tpu.dma_semaphore, #tpu.memory_space<semaphore_mem>>
      %dma_start3A_17 = arith.constant 0 : i32
      %dma_start3A_18 = tpu.memref_slice %arg4[%add3A_10, %dma_start3A_17] : memref<4096x768xf32, #tpu.memory_space<hbm>> -> memref<64x768xf32, #tpu.memory_space<hbm>>
      %dma_start3A_19 = arith.constant 0 : i32
      %dma_start3A_20 = tpu.memref_slice %arg4[%add3A_10, %dma_start3A_19] : memref<4096x768xf32, #tpu.memory_space<hbm>> -> memref<64x768xf32, #tpu.memory_space<hbm>>
      tpu.enqueue_dma source(%arg6 : memref<64x768xf32, #tpu.memory_space<vmem>>) target(%dma_start3A_20 : memref<64x768xf32, #tpu.memory_space<hbm>>) target_semaphore(%run_scoped3A : memref<!tpu.dma_semaphore, #tpu.memory_space<semaphore_mem>>)
      %dma_wait3A_21 = arith.constant 0 : i32
      %dma_wait3A_22 = tpu.memref_slice %arg4[%add3A_10, %dma_wait3A_21] : memref<4096x768xf32, #tpu.memory_space<hbm>> -> memref<64x768xf32, #tpu.memory_space<hbm>>
      %dma_wait3A_23 = arith.constant 0 : i32
      %dma_wait3A_24 = tpu.memref_slice %arg4[%add3A_10, %dma_wait3A_23] : memref<4096x768xf32, #tpu.memory_space<hbm>> -> memref<64x768xf32, #tpu.memory_space<hbm>>
      tpu.wait_dma2 semaphore(%run_scoped3A : memref<!tpu.dma_semaphore, #tpu.memory_space<semaphore_mem>>) src(%arg6 : memref<64x768xf32, #tpu.memory_space<vmem>>) dst(%dma_wait3A_24 : memref<64x768xf32, #tpu.memory_space<hbm>>)
      tpu.yield
    }) : () -> ()
    return
  }
}

module attributes {stable_mosaic.version = 14 : i64} {
  func.func @body(%arg0: i32, %arg1: memref<512x768xf32, #tpu.memory_space<vmem>>, %arg2: memref<1x1x512xf32, #tpu.memory_space<vmem>>, %arg3: memref<512x512xf32, #tpu.memory_space<vmem>>, %arg4: memref<512x768xf32, #tpu.memory_space<vmem>>, %arg5: memref<2x768xf32, #tpu.memory_space<vmem>>, %arg6: memref<1x768xf32, #tpu.memory_space<vmem>>, %arg7: memref<1x768xf32, #tpu.memory_space<vmem>>, %arg8: memref<512x768xf32, #tpu.memory_space<vmem>>) attributes {dimension_semantics = [#tpu.dimension_semantics<arbitrary>], iteration_bounds = array<i64: 8>, scalar_prefetch = 0 : i64, scratch_operands = 0 : i64, tpu.core_type = #tpu.core_type<tc>, window_params = [{transform_indices = @transform_0, window_bounds = array<i64: 512, 768>}, {transform_indices = @transform_1, window_bounds = array<i64: 1, 1, 512>}, {pipeline_mode = #tpu.pipeline_mode<synchronous>, transform_indices = @transform_2, window_bounds = array<i64: 512, 512>}, {pipeline_mode = #tpu.pipeline_mode<synchronous>, transform_indices = @transform_3, window_bounds = array<i64: 512, 768>}, {pipeline_mode = #tpu.pipeline_mode<synchronous>, transform_indices = @transform_4, window_bounds = array<i64: 2, 768>}, {pipeline_mode = #tpu.pipeline_mode<synchronous>, transform_indices = @transform_5, window_bounds = array<i64: 1, 768>}, {pipeline_mode = #tpu.pipeline_mode<synchronous>, transform_indices = @transform_6, window_bounds = array<i64: 1, 768>}, {transform_indices = @transform_7, window_bounds = array<i64: 512, 768>}]} {
    %get3A = arith.constant 0 : index
    %get3A_0 = arith.constant 0 : index
    %get3A_1 = arith.constant 0 : index
    %get3A_2 = vector.load %arg2[%get3A, %get3A_0, %get3A_1] : memref<1x1x512xf32, #tpu.memory_space<vmem>>, vector<1x1x512xf32>
    %get3A_3 = vector.shape_cast %get3A_2 : vector<1x1x512xf32> to vector<1x512xf32>
    %get3A_4 = arith.constant 0 : index
    %get3A_5 = arith.constant 0 : index
    %get3A_6 = vector.load %arg3[%get3A_4, %get3A_5] : memref<512x512xf32, #tpu.memory_space<vmem>>, vector<512x512xf32>
    %dot_general3A = arith.constant dense<0.000000e+00> : vector<512x1xf32>
    %dot_general3A_7 = tpu.matmul %get3A_6, %get3A_3, %dot_general3A {dimension_numbers = #tpu.dot_dimension_numbers<[1], [1], [0], [0], [0, 0, 1, 0], [], []>, transpose_lhs_hint = false} : vector<512x512xf32>, vector<1x512xf32>, vector<512x1xf32> -> vector<512x1xf32>
    %get3A_8 = arith.constant 0 : index
    %get3A_9 = arith.constant 0 : index
    %get3A_10 = vector.load %arg5[%get3A_8, %get3A_9] : memref<2x768xf32, #tpu.memory_space<vmem>>, vector<1x768xf32>
    %get3A_11 = arith.constant 1 : index
    %get3A_12 = arith.constant 0 : index
    %get3A_13 = vector.load %arg5[%get3A_11, %get3A_12] : memref<2x768xf32, #tpu.memory_space<vmem>>, vector<1x768xf32>
    %sub3A = arith.subf %get3A_13, %get3A_10 : vector<1x768xf32>
    %get3A_14 = arith.constant 0 : index
    %get3A_15 = arith.constant 0 : index
    %get3A_16 = vector.load %arg1[%get3A_14, %get3A_15] : memref<512x768xf32, #tpu.memory_space<vmem>>, vector<512x768xf32>
    %get3A_17 = arith.constant 0 : index
    %get3A_18 = arith.constant 0 : index
    %get3A_19 = vector.load %arg4[%get3A_17, %get3A_18] : memref<512x768xf32, #tpu.memory_space<vmem>>, vector<512x768xf32>
    %add3A = arith.addf %get3A_16, %get3A_19 : vector<512x768xf32>
    %add3A_20 = vector.broadcast %get3A_10 : vector<1x768xf32> to vector<512x768xf32>
    %add3A_21 = arith.addf %add3A, %add3A_20 : vector<512x768xf32>
    %mul3A = vector.broadcast %dot_general3A_7 : vector<512x1xf32> to vector<512x768xf32>
    %mul3A_22 = vector.broadcast %sub3A : vector<1x768xf32> to vector<512x768xf32>
    %mul3A_23 = arith.mulf %mul3A, %mul3A_22 : vector<512x768xf32>
    %add3A_24 = arith.addf %add3A_21, %mul3A_23 : vector<512x768xf32>
    %reduce_sum3A = arith.constant dense<0.000000e+00> : vector<512xf32>
    %reduce_sum3A_25 = vector.multi_reduction <add>, %add3A_24, %reduce_sum3A [1] : vector<512x768xf32> to vector<512xf32>
    %broadcast_in_dim3A = vector.shape_cast %reduce_sum3A_25 : vector<512xf32> to vector<512x1xf32>
    %mul3A_26 = arith.mulf %add3A_24, %add3A_24 : vector<512x768xf32>
    %reduce_sum3A_27 = arith.constant dense<0.000000e+00> : vector<512xf32>
    %reduce_sum3A_28 = vector.multi_reduction <add>, %mul3A_26, %reduce_sum3A_27 [1] : vector<512x768xf32> to vector<512xf32>
    %broadcast_in_dim3A_29 = vector.shape_cast %reduce_sum3A_28 : vector<512xf32> to vector<512x1xf32>
    %mul3A_30 = arith.constant 0.00130208337 : f32
    %mul3A_31 = vector.broadcast %mul3A_30 : f32 to vector<512x1xf32>
    %mul3A_32 = arith.mulf %broadcast_in_dim3A, %mul3A_31 : vector<512x1xf32>
    %mul3A_33 = arith.constant 0.00130208337 : f32
    %mul3A_34 = vector.broadcast %mul3A_33 : f32 to vector<512x1xf32>
    %mul3A_35 = arith.mulf %broadcast_in_dim3A_29, %mul3A_34 : vector<512x1xf32>
    %mul3A_36 = arith.mulf %mul3A_32, %mul3A_32 : vector<512x1xf32>
    %sub3A_37 = arith.subf %mul3A_35, %mul3A_36 : vector<512x1xf32>
    %max3A = arith.constant 0.000000e+00 : f32
    %max3A_38 = vector.broadcast %max3A : f32 to vector<512x1xf32>
    %max3A_39 = arith.maximumf %sub3A_37, %max3A_38 : vector<512x1xf32>
    %add3A_40 = arith.constant 9.99999996E-13 : f32
    %add3A_41 = vector.broadcast %add3A_40 : f32 to vector<512x1xf32>
    %add3A_42 = arith.addf %max3A_39, %add3A_41 : vector<512x1xf32>
    %rsqrt3A = math.rsqrt %add3A_42 : vector<512x1xf32>
    %sub3A_43 = vector.broadcast %mul3A_32 : vector<512x1xf32> to vector<512x768xf32>
    %sub3A_44 = arith.subf %add3A_24, %sub3A_43 : vector<512x768xf32>
    %mul3A_45 = vector.broadcast %rsqrt3A : vector<512x1xf32> to vector<512x768xf32>
    %mul3A_46 = arith.mulf %sub3A_44, %mul3A_45 : vector<512x768xf32>
    %get3A_47 = arith.constant 0 : index
    %get3A_48 = arith.constant 0 : index
    %get3A_49 = vector.load %arg6[%get3A_47, %get3A_48] : memref<1x768xf32, #tpu.memory_space<vmem>>, vector<1x768xf32>
    %mul3A_50 = vector.broadcast %get3A_49 : vector<1x768xf32> to vector<512x768xf32>
    %mul3A_51 = arith.mulf %mul3A_46, %mul3A_50 : vector<512x768xf32>
    %get3A_52 = arith.constant 0 : index
    %get3A_53 = arith.constant 0 : index
    %get3A_54 = vector.load %arg7[%get3A_52, %get3A_53] : memref<1x768xf32, #tpu.memory_space<vmem>>, vector<1x768xf32>
    %add3A_55 = vector.broadcast %get3A_54 : vector<1x768xf32> to vector<512x768xf32>
    %add3A_56 = arith.addf %mul3A_51, %add3A_55 : vector<512x768xf32>
    %swap3A = arith.constant 0 : index
    %swap3A_57 = arith.constant 0 : index
    %swap3A_58 = vector.load %arg8[%swap3A, %swap3A_57] : memref<512x768xf32, #tpu.memory_space<vmem>>, vector<512x768xf32>
    tpu.vector_store %arg8[%swap3A, %swap3A_57], %add3A_56 {strides = array<i32>} : memref<512x768xf32, #tpu.memory_space<vmem>>, vector<512x768xf32>,
    return
  }
  func.func @transform_0(%arg0: i32) -> (i32, i32) {
    %c0_i32 = arith.constant 0 : i32
    %c0_i32_0 = arith.constant 0 : i32
    return %arg0, %c0_i32 : i32, i32
  }
  func.func @transform_1(%arg0: i32) -> (i32, i32, i32) {
    %add3A = arith.constant 0 : i32
    %add3A_0 = arith.addi %add3A, %arg0 : i32
    %c0_i32 = arith.constant 0 : i32
    %c0_i32_1 = arith.constant 0 : i32
    %c0_i32_2 = arith.constant 0 : i32
    return %add3A_0, %c0_i32, %c0_i32_1 : i32, i32, i32
  }
  func.func @transform_2(%arg0: i32) -> (i32, i32) {
    %c0_i32 = arith.constant 0 : i32
    %c0_i32_0 = arith.constant 0 : i32
    %c0_i32_1 = arith.constant 0 : i32
    return %c0_i32, %c0_i32_0 : i32, i32
  }
  func.func @transform_3(%arg0: i32) -> (i32, i32) {
    %c0_i32 = arith.constant 0 : i32
    %c0_i32_0 = arith.constant 0 : i32
    %c0_i32_1 = arith.constant 0 : i32
    return %c0_i32, %c0_i32_0 : i32, i32
  }
  func.func @transform_4(%arg0: i32) -> (i32, i32) {
    %c0_i32 = arith.constant 0 : i32
    %c0_i32_0 = arith.constant 0 : i32
    %c0_i32_1 = arith.constant 0 : i32
    return %c0_i32, %c0_i32_0 : i32, i32
  }
  func.func @transform_5(%arg0: i32) -> (i32, i32) {
    %c0_i32 = arith.constant 0 : i32
    %c0_i32_0 = arith.constant 0 : i32
    %c0_i32_1 = arith.constant 0 : i32
    return %c0_i32, %c0_i32_0 : i32, i32
  }
  func.func @transform_6(%arg0: i32) -> (i32, i32) {
    %c0_i32 = arith.constant 0 : i32
    %c0_i32_0 = arith.constant 0 : i32
    %c0_i32_1 = arith.constant 0 : i32
    return %c0_i32, %c0_i32_0 : i32, i32
  }
  func.func @transform_7(%arg0: i32) -> (i32, i32) {
    %add3A = arith.constant 0 : i32
    %add3A_0 = arith.addi %add3A, %arg0 : i32
    %c0_i32 = arith.constant 0 : i32
    %c0_i32_1 = arith.constant 0 : i32
    return %add3A_0, %c0_i32 : i32, i32
  }
}

module attributes {stable_mosaic.version = 14 : i64} {
  func.func @body(%arg0: i32, %arg1: memref<16384x768xf32, #tpu.memory_space<any>>, %arg2: memref<512x768xf32, #tpu.memory_space<vmem>>, %arg3: memref<1x1x512xf32, #tpu.memory_space<vmem>>, %arg4: memref<512x512xf32, #tpu.memory_space<vmem>>, %arg5: memref<512x768xf32, #tpu.memory_space<vmem>>, %arg6: memref<2x768xf32, #tpu.memory_space<vmem>>, %arg7: memref<1x768xf32, #tpu.memory_space<vmem>>, %arg8: memref<1x768xf32, #tpu.memory_space<vmem>>, %arg9: memref<512x768xf32, #tpu.memory_space<vmem>>) attributes {dimension_semantics = [#tpu.dimension_semantics<arbitrary>], iteration_bounds = array<i64: 8>, scalar_prefetch = 0 : i64, scratch_operands = 0 : i64, tpu.core_type = #tpu.core_type<tc>, window_params = [{}, {transform_indices = @transform_1, window_bounds = array<i64: 512, 768>}, {transform_indices = @transform_2, window_bounds = array<i64: 1, 1, 512>}, {pipeline_mode = #tpu.pipeline_mode<synchronous>, transform_indices = @transform_3, window_bounds = array<i64: 512, 512>}, {pipeline_mode = #tpu.pipeline_mode<synchronous>, transform_indices = @transform_4, window_bounds = array<i64: 512, 768>}, {pipeline_mode = #tpu.pipeline_mode<synchronous>, transform_indices = @transform_5, window_bounds = array<i64: 2, 768>}, {pipeline_mode = #tpu.pipeline_mode<synchronous>, transform_indices = @transform_6, window_bounds = array<i64: 1, 768>}, {pipeline_mode = #tpu.pipeline_mode<synchronous>, transform_indices = @transform_7, window_bounds = array<i64: 1, 768>}, {transform_indices = @transform_8, window_bounds = array<i64: 512, 768>}]} {
    %get3A = arith.constant 0 : index
    %get3A_0 = arith.constant 0 : index
    %get3A_1 = arith.constant 0 : index
    %get3A_2 = vector.load %arg3[%get3A, %get3A_0, %get3A_1] : memref<1x1x512xf32, #tpu.memory_space<vmem>>, vector<1x1x512xf32>
    %get3A_3 = vector.shape_cast %get3A_2 : vector<1x1x512xf32> to vector<1x512xf32>
    %get3A_4 = arith.constant 0 : index
    %get3A_5 = arith.constant 0 : index
    %get3A_6 = vector.load %arg4[%get3A_4, %get3A_5] : memref<512x512xf32, #tpu.memory_space<vmem>>, vector<512x512xf32>
    %dot_general3A = arith.constant dense<0.000000e+00> : vector<512x1xf32>
    %dot_general3A_7 = tpu.matmul %get3A_6, %get3A_3, %dot_general3A {dimension_numbers = #tpu.dot_dimension_numbers<[1], [1], [0], [0], [0, 0, 1, 0], [], []>, transpose_lhs_hint = false} : vector<512x512xf32>, vector<1x512xf32>, vector<512x1xf32> -> vector<512x1xf32>
    %get3A_8 = arith.constant 0 : index
    %get3A_9 = arith.constant 0 : index
    %get3A_10 = vector.load %arg6[%get3A_8, %get3A_9] : memref<2x768xf32, #tpu.memory_space<vmem>>, vector<1x768xf32>
    %get3A_11 = arith.constant 1 : index
    %get3A_12 = arith.constant 0 : index
    %get3A_13 = vector.load %arg6[%get3A_11, %get3A_12] : memref<2x768xf32, #tpu.memory_space<vmem>>, vector<1x768xf32>
    %sub3A = arith.subf %get3A_13, %get3A_10 : vector<1x768xf32>
    %get3A_14 = arith.constant 0 : index
    %get3A_15 = arith.constant 0 : index
    %get3A_16 = vector.load %arg2[%get3A_14, %get3A_15] : memref<512x768xf32, #tpu.memory_space<vmem>>, vector<512x768xf32>
    %get3A_17 = arith.constant 0 : index
    %get3A_18 = arith.constant 0 : index
    %get3A_19 = vector.load %arg5[%get3A_17, %get3A_18] : memref<512x768xf32, #tpu.memory_space<vmem>>, vector<512x768xf32>
    %add3A = arith.addf %get3A_16, %get3A_19 : vector<512x768xf32>
    %add3A_20 = vector.broadcast %get3A_10 : vector<1x768xf32> to vector<512x768xf32>
    %add3A_21 = arith.addf %add3A, %add3A_20 : vector<512x768xf32>
    %mul3A = vector.broadcast %dot_general3A_7 : vector<512x1xf32> to vector<512x768xf32>
    %mul3A_22 = vector.broadcast %sub3A : vector<1x768xf32> to vector<512x768xf32>
    %mul3A_23 = arith.mulf %mul3A, %mul3A_22 : vector<512x768xf32>
    %add3A_24 = arith.addf %add3A_21, %mul3A_23 : vector<512x768xf32>
    %reduce_sum3A = arith.constant dense<0.000000e+00> : vector<512xf32>
    %reduce_sum3A_25 = vector.multi_reduction <add>, %add3A_24, %reduce_sum3A [1] : vector<512x768xf32> to vector<512xf32>
    %broadcast_in_dim3A = vector.shape_cast %reduce_sum3A_25 : vector<512xf32> to vector<512x1xf32>
    %mul3A_26 = arith.mulf %add3A_24, %add3A_24 : vector<512x768xf32>
    %reduce_sum3A_27 = arith.constant dense<0.000000e+00> : vector<512xf32>
    %reduce_sum3A_28 = vector.multi_reduction <add>, %mul3A_26, %reduce_sum3A_27 [1] : vector<512x768xf32> to vector<512xf32>
    %broadcast_in_dim3A_29 = vector.shape_cast %reduce_sum3A_28 : vector<512xf32> to vector<512x1xf32>
    %mul3A_30 = arith.constant 0.00130208337 : f32
    %mul3A_31 = vector.broadcast %mul3A_30 : f32 to vector<512x1xf32>
    %mul3A_32 = arith.mulf %broadcast_in_dim3A, %mul3A_31 : vector<512x1xf32>
    %mul3A_33 = arith.constant 0.00130208337 : f32
    %mul3A_34 = vector.broadcast %mul3A_33 : f32 to vector<512x1xf32>
    %mul3A_35 = arith.mulf %broadcast_in_dim3A_29, %mul3A_34 : vector<512x1xf32>
    %mul3A_36 = arith.mulf %mul3A_32, %mul3A_32 : vector<512x1xf32>
    %sub3A_37 = arith.subf %mul3A_35, %mul3A_36 : vector<512x1xf32>
    %max3A = arith.constant 0.000000e+00 : f32
    %max3A_38 = vector.broadcast %max3A : f32 to vector<512x1xf32>
    %max3A_39 = arith.maximumf %sub3A_37, %max3A_38 : vector<512x1xf32>
    %add3A_40 = arith.constant 9.99999996E-13 : f32
    %add3A_41 = vector.broadcast %add3A_40 : f32 to vector<512x1xf32>
    %add3A_42 = arith.addf %max3A_39, %add3A_41 : vector<512x1xf32>
    %rsqrt3A = math.rsqrt %add3A_42 : vector<512x1xf32>
    %sub3A_43 = vector.broadcast %mul3A_32 : vector<512x1xf32> to vector<512x768xf32>
    %sub3A_44 = arith.subf %add3A_24, %sub3A_43 : vector<512x768xf32>
    %mul3A_45 = vector.broadcast %rsqrt3A : vector<512x1xf32> to vector<512x768xf32>
    %mul3A_46 = arith.mulf %sub3A_44, %mul3A_45 : vector<512x768xf32>
    %get3A_47 = arith.constant 0 : index
    %get3A_48 = arith.constant 0 : index
    %get3A_49 = vector.load %arg7[%get3A_47, %get3A_48] : memref<1x768xf32, #tpu.memory_space<vmem>>, vector<1x768xf32>
    %mul3A_50 = vector.broadcast %get3A_49 : vector<1x768xf32> to vector<512x768xf32>
    %mul3A_51 = arith.mulf %mul3A_46, %mul3A_50 : vector<512x768xf32>
    %get3A_52 = arith.constant 0 : index
    %get3A_53 = arith.constant 0 : index
    %get3A_54 = vector.load %arg8[%get3A_52, %get3A_53] : memref<1x768xf32, #tpu.memory_space<vmem>>, vector<1x768xf32>
    %add3A_55 = vector.broadcast %get3A_54 : vector<1x768xf32> to vector<512x768xf32>
    %add3A_56 = arith.addf %mul3A_51, %add3A_55 : vector<512x768xf32>
    %swap3A = arith.constant 0 : index
    %swap3A_57 = arith.constant 0 : index
    %swap3A_58 = vector.load %arg9[%swap3A, %swap3A_57] : memref<512x768xf32, #tpu.memory_space<vmem>>, vector<512x768xf32>
    tpu.vector_store %arg9[%swap3A, %swap3A_57], %add3A_56 {strides = array<i32>} : memref<512x768xf32, #tpu.memory_space<vmem>>, vector<512x768xf32>,
    return
  }
  func.func @transform_1(%arg0: i32) -> (i32, i32) {
    %c0_i32 = arith.constant 0 : i32
    %c0_i32_0 = arith.constant 0 : i32
    return %arg0, %c0_i32 : i32, i32
  }
  func.func @transform_2(%arg0: i32) -> (i32, i32, i32) {
    %add3A = arith.constant 8 : i32
    %add3A_0 = arith.addi %add3A, %arg0 : i32
    %c0_i32 = arith.constant 0 : i32
    %c0_i32_1 = arith.constant 0 : i32
    %c0_i32_2 = arith.constant 0 : i32
    return %add3A_0, %c0_i32, %c0_i32_1 : i32, i32, i32
  }
  func.func @transform_3(%arg0: i32) -> (i32, i32) {
    %c0_i32 = arith.constant 0 : i32
    %c0_i32_0 = arith.constant 0 : i32
    %c0_i32_1 = arith.constant 0 : i32
    return %c0_i32, %c0_i32_0 : i32, i32
  }
  func.func @transform_4(%arg0: i32) -> (i32, i32) {
    %c0_i32 = arith.constant 0 : i32
    %c0_i32_0 = arith.constant 0 : i32
    %c0_i32_1 = arith.constant 0 : i32
    return %c0_i32, %c0_i32_0 : i32, i32
  }
  func.func @transform_5(%arg0: i32) -> (i32, i32) {
    %c0_i32 = arith.constant 0 : i32
    %c0_i32_0 = arith.constant 0 : i32
    %c0_i32_1 = arith.constant 0 : i32
    return %c0_i32, %c0_i32_0 : i32, i32
  }
  func.func @transform_6(%arg0: i32) -> (i32, i32) {
    %c0_i32 = arith.constant 0 : i32
    %c0_i32_0 = arith.constant 0 : i32
    %c0_i32_1 = arith.constant 0 : i32
    return %c0_i32, %c0_i32_0 : i32, i32
  }
  func.func @transform_7(%arg0: i32) -> (i32, i32) {
    %c0_i32 = arith.constant 0 : i32
    %c0_i32_0 = arith.constant 0 : i32
    %c0_i32_1 = arith.constant 0 : i32
    return %c0_i32, %c0_i32_0 : i32, i32
  }
  func.func @transform_8(%arg0: i32) -> (i32, i32) {
    %add3A = arith.constant 8 : i32
    %add3A_0 = arith.addi %add3A, %arg0 : i32
    %c0_i32 = arith.constant 0 : i32
    %c0_i32_1 = arith.constant 0 : i32
    return %add3A_0, %c0_i32 : i32, i32
  }
}

module attributes {stable_mosaic.version = 14 : i64} {
  func.func @body(%arg0: i32, %arg1: memref<16384x768xf32, #tpu.memory_space<any>>, %arg2: memref<512x768xf32, #tpu.memory_space<vmem>>, %arg3: memref<1x1x512xf32, #tpu.memory_space<vmem>>, %arg4: memref<512x512xf32, #tpu.memory_space<vmem>>, %arg5: memref<512x768xf32, #tpu.memory_space<vmem>>, %arg6: memref<2x768xf32, #tpu.memory_space<vmem>>, %arg7: memref<1x768xf32, #tpu.memory_space<vmem>>, %arg8: memref<1x768xf32, #tpu.memory_space<vmem>>, %arg9: memref<512x768xf32, #tpu.memory_space<vmem>>) attributes {dimension_semantics = [#tpu.dimension_semantics<arbitrary>], iteration_bounds = array<i64: 8>, scalar_prefetch = 0 : i64, scratch_operands = 0 : i64, tpu.core_type = #tpu.core_type<tc>, window_params = [{}, {transform_indices = @transform_1, window_bounds = array<i64: 512, 768>}, {transform_indices = @transform_2, window_bounds = array<i64: 1, 1, 512>}, {pipeline_mode = #tpu.pipeline_mode<synchronous>, transform_indices = @transform_3, window_bounds = array<i64: 512, 512>}, {pipeline_mode = #tpu.pipeline_mode<synchronous>, transform_indices = @transform_4, window_bounds = array<i64: 512, 768>}, {pipeline_mode = #tpu.pipeline_mode<synchronous>, transform_indices = @transform_5, window_bounds = array<i64: 2, 768>}, {pipeline_mode = #tpu.pipeline_mode<synchronous>, transform_indices = @transform_6, window_bounds = array<i64: 1, 768>}, {pipeline_mode = #tpu.pipeline_mode<synchronous>, transform_indices = @transform_7, window_bounds = array<i64: 1, 768>}, {transform_indices = @transform_8, window_bounds = array<i64: 512, 768>}]} {
    %get3A = arith.constant 0 : index
    %get3A_0 = arith.constant 0 : index
    %get3A_1 = arith.constant 0 : index
    %get3A_2 = vector.load %arg3[%get3A, %get3A_0, %get3A_1] : memref<1x1x512xf32, #tpu.memory_space<vmem>>, vector<1x1x512xf32>
    %get3A_3 = vector.shape_cast %get3A_2 : vector<1x1x512xf32> to vector<1x512xf32>
    %get3A_4 = arith.constant 0 : index
    %get3A_5 = arith.constant 0 : index
    %get3A_6 = vector.load %arg4[%get3A_4, %get3A_5] : memref<512x512xf32, #tpu.memory_space<vmem>>, vector<512x512xf32>
    %dot_general3A = arith.constant dense<0.000000e+00> : vector<512x1xf32>
    %dot_general3A_7 = tpu.matmul %get3A_6, %get3A_3, %dot_general3A {dimension_numbers = #tpu.dot_dimension_numbers<[1], [1], [0], [0], [0, 0, 1, 0], [], []>, transpose_lhs_hint = false} : vector<512x512xf32>, vector<1x512xf32>, vector<512x1xf32> -> vector<512x1xf32>
    %get3A_8 = arith.constant 0 : index
    %get3A_9 = arith.constant 0 : index
    %get3A_10 = vector.load %arg6[%get3A_8, %get3A_9] : memref<2x768xf32, #tpu.memory_space<vmem>>, vector<1x768xf32>
    %get3A_11 = arith.constant 1 : index
    %get3A_12 = arith.constant 0 : index
    %get3A_13 = vector.load %arg6[%get3A_11, %get3A_12] : memref<2x768xf32, #tpu.memory_space<vmem>>, vector<1x768xf32>
    %sub3A = arith.subf %get3A_13, %get3A_10 : vector<1x768xf32>
    %get3A_14 = arith.constant 0 : index
    %get3A_15 = arith.constant 0 : index
    %get3A_16 = vector.load %arg2[%get3A_14, %get3A_15] : memref<512x768xf32, #tpu.memory_space<vmem>>, vector<512x768xf32>
    %get3A_17 = arith.constant 0 : index
    %get3A_18 = arith.constant 0 : index
    %get3A_19 = vector.load %arg5[%get3A_17, %get3A_18] : memref<512x768xf32, #tpu.memory_space<vmem>>, vector<512x768xf32>
    %add3A = arith.addf %get3A_16, %get3A_19 : vector<512x768xf32>
    %add3A_20 = vector.broadcast %get3A_10 : vector<1x768xf32> to vector<512x768xf32>
    %add3A_21 = arith.addf %add3A, %add3A_20 : vector<512x768xf32>
    %mul3A = vector.broadcast %dot_general3A_7 : vector<512x1xf32> to vector<512x768xf32>
    %mul3A_22 = vector.broadcast %sub3A : vector<1x768xf32> to vector<512x768xf32>
    %mul3A_23 = arith.mulf %mul3A, %mul3A_22 : vector<512x768xf32>
    %add3A_24 = arith.addf %add3A_21, %mul3A_23 : vector<512x768xf32>
    %reduce_sum3A = arith.constant dense<0.000000e+00> : vector<512xf32>
    %reduce_sum3A_25 = vector.multi_reduction <add>, %add3A_24, %reduce_sum3A [1] : vector<512x768xf32> to vector<512xf32>
    %broadcast_in_dim3A = vector.shape_cast %reduce_sum3A_25 : vector<512xf32> to vector<512x1xf32>
    %mul3A_26 = arith.mulf %add3A_24, %add3A_24 : vector<512x768xf32>
    %reduce_sum3A_27 = arith.constant dense<0.000000e+00> : vector<512xf32>
    %reduce_sum3A_28 = vector.multi_reduction <add>, %mul3A_26, %reduce_sum3A_27 [1] : vector<512x768xf32> to vector<512xf32>
    %broadcast_in_dim3A_29 = vector.shape_cast %reduce_sum3A_28 : vector<512xf32> to vector<512x1xf32>
    %mul3A_30 = arith.constant 0.00130208337 : f32
    %mul3A_31 = vector.broadcast %mul3A_30 : f32 to vector<512x1xf32>
    %mul3A_32 = arith.mulf %broadcast_in_dim3A, %mul3A_31 : vector<512x1xf32>
    %mul3A_33 = arith.constant 0.00130208337 : f32
    %mul3A_34 = vector.broadcast %mul3A_33 : f32 to vector<512x1xf32>
    %mul3A_35 = arith.mulf %broadcast_in_dim3A_29, %mul3A_34 : vector<512x1xf32>
    %mul3A_36 = arith.mulf %mul3A_32, %mul3A_32 : vector<512x1xf32>
    %sub3A_37 = arith.subf %mul3A_35, %mul3A_36 : vector<512x1xf32>
    %max3A = arith.constant 0.000000e+00 : f32
    %max3A_38 = vector.broadcast %max3A : f32 to vector<512x1xf32>
    %max3A_39 = arith.maximumf %sub3A_37, %max3A_38 : vector<512x1xf32>
    %add3A_40 = arith.constant 9.99999996E-13 : f32
    %add3A_41 = vector.broadcast %add3A_40 : f32 to vector<512x1xf32>
    %add3A_42 = arith.addf %max3A_39, %add3A_41 : vector<512x1xf32>
    %rsqrt3A = math.rsqrt %add3A_42 : vector<512x1xf32>
    %sub3A_43 = vector.broadcast %mul3A_32 : vector<512x1xf32> to vector<512x768xf32>
    %sub3A_44 = arith.subf %add3A_24, %sub3A_43 : vector<512x768xf32>
    %mul3A_45 = vector.broadcast %rsqrt3A : vector<512x1xf32> to vector<512x768xf32>
    %mul3A_46 = arith.mulf %sub3A_44, %mul3A_45 : vector<512x768xf32>
    %get3A_47 = arith.constant 0 : index
    %get3A_48 = arith.constant 0 : index
    %get3A_49 = vector.load %arg7[%get3A_47, %get3A_48] : memref<1x768xf32, #tpu.memory_space<vmem>>, vector<1x768xf32>
    %mul3A_50 = vector.broadcast %get3A_49 : vector<1x768xf32> to vector<512x768xf32>
    %mul3A_51 = arith.mulf %mul3A_46, %mul3A_50 : vector<512x768xf32>
    %get3A_52 = arith.constant 0 : index
    %get3A_53 = arith.constant 0 : index
    %get3A_54 = vector.load %arg8[%get3A_52, %get3A_53] : memref<1x768xf32, #tpu.memory_space<vmem>>, vector<1x768xf32>
    %add3A_55 = vector.broadcast %get3A_54 : vector<1x768xf32> to vector<512x768xf32>
    %add3A_56 = arith.addf %mul3A_51, %add3A_55 : vector<512x768xf32>
    %swap3A = arith.constant 0 : index
    %swap3A_57 = arith.constant 0 : index
    %swap3A_58 = vector.load %arg9[%swap3A, %swap3A_57] : memref<512x768xf32, #tpu.memory_space<vmem>>, vector<512x768xf32>
    tpu.vector_store %arg9[%swap3A, %swap3A_57], %add3A_56 {strides = array<i32>} : memref<512x768xf32, #tpu.memory_space<vmem>>, vector<512x768xf32>,
    return
  }
  func.func @transform_1(%arg0: i32) -> (i32, i32) {
    %c0_i32 = arith.constant 0 : i32
    %c0_i32_0 = arith.constant 0 : i32
    return %arg0, %c0_i32 : i32, i32
  }
  func.func @transform_2(%arg0: i32) -> (i32, i32, i32) {
    %add3A = arith.constant 16 : i32
    %add3A_0 = arith.addi %add3A, %arg0 : i32
    %c0_i32 = arith.constant 0 : i32
    %c0_i32_1 = arith.constant 0 : i32
    %c0_i32_2 = arith.constant 0 : i32
    return %add3A_0, %c0_i32, %c0_i32_1 : i32, i32, i32
  }
  func.func @transform_3(%arg0: i32) -> (i32, i32) {
    %c0_i32 = arith.constant 0 : i32
    %c0_i32_0 = arith.constant 0 : i32
    %c0_i32_1 = arith.constant 0 : i32
    return %c0_i32, %c0_i32_0 : i32, i32
  }
  func.func @transform_4(%arg0: i32) -> (i32, i32) {
    %c0_i32 = arith.constant 0 : i32
    %c0_i32_0 = arith.constant 0 : i32
    %c0_i32_1 = arith.constant 0 : i32
    return %c0_i32, %c0_i32_0 : i32, i32
  }
  func.func @transform_5(%arg0: i32) -> (i32, i32) {
    %c0_i32 = arith.constant 0 : i32
    %c0_i32_0 = arith.constant 0 : i32
    %c0_i32_1 = arith.constant 0 : i32
    return %c0_i32, %c0_i32_0 : i32, i32
  }
  func.func @transform_6(%arg0: i32) -> (i32, i32) {
    %c0_i32 = arith.constant 0 : i32
    %c0_i32_0 = arith.constant 0 : i32
    %c0_i32_1 = arith.constant 0 : i32
    return %c0_i32, %c0_i32_0 : i32, i32
  }
  func.func @transform_7(%arg0: i32) -> (i32, i32) {
    %c0_i32 = arith.constant 0 : i32
    %c0_i32_0 = arith.constant 0 : i32
    %c0_i32_1 = arith.constant 0 : i32
    return %c0_i32, %c0_i32_0 : i32, i32
  }
  func.func @transform_8(%arg0: i32) -> (i32, i32) {
    %add3A = arith.constant 16 : i32
    %add3A_0 = arith.addi %add3A, %arg0 : i32
    %c0_i32 = arith.constant 0 : i32
    %c0_i32_1 = arith.constant 0 : i32
    return %add3A_0, %c0_i32 : i32, i32
  }
}

module attributes {stable_mosaic.version = 14 : i64} {
  func.func @body(%arg0: i32, %arg1: memref<16384x768xf32, #tpu.memory_space<any>>, %arg2: memref<512x768xf32, #tpu.memory_space<vmem>>, %arg3: memref<1x1x512xf32, #tpu.memory_space<vmem>>, %arg4: memref<512x512xf32, #tpu.memory_space<vmem>>, %arg5: memref<512x768xf32, #tpu.memory_space<vmem>>, %arg6: memref<2x768xf32, #tpu.memory_space<vmem>>, %arg7: memref<1x768xf32, #tpu.memory_space<vmem>>, %arg8: memref<1x768xf32, #tpu.memory_space<vmem>>, %arg9: memref<512x768xf32, #tpu.memory_space<vmem>>) attributes {dimension_semantics = [#tpu.dimension_semantics<arbitrary>], iteration_bounds = array<i64: 8>, scalar_prefetch = 0 : i64, scratch_operands = 0 : i64, tpu.core_type = #tpu.core_type<tc>, window_params = [{}, {transform_indices = @transform_1, window_bounds = array<i64: 512, 768>}, {transform_indices = @transform_2, window_bounds = array<i64: 1, 1, 512>}, {pipeline_mode = #tpu.pipeline_mode<synchronous>, transform_indices = @transform_3, window_bounds = array<i64: 512, 512>}, {pipeline_mode = #tpu.pipeline_mode<synchronous>, transform_indices = @transform_4, window_bounds = array<i64: 512, 768>}, {pipeline_mode = #tpu.pipeline_mode<synchronous>, transform_indices = @transform_5, window_bounds = array<i64: 2, 768>}, {pipeline_mode = #tpu.pipeline_mode<synchronous>, transform_indices = @transform_6, window_bounds = array<i64: 1, 768>}, {pipeline_mode = #tpu.pipeline_mode<synchronous>, transform_indices = @transform_7, window_bounds = array<i64: 1, 768>}, {transform_indices = @transform_8, window_bounds = array<i64: 512, 768>}]} {
    %get3A = arith.constant 0 : index
    %get3A_0 = arith.constant 0 : index
    %get3A_1 = arith.constant 0 : index
    %get3A_2 = vector.load %arg3[%get3A, %get3A_0, %get3A_1] : memref<1x1x512xf32, #tpu.memory_space<vmem>>, vector<1x1x512xf32>
    %get3A_3 = vector.shape_cast %get3A_2 : vector<1x1x512xf32> to vector<1x512xf32>
    %get3A_4 = arith.constant 0 : index
    %get3A_5 = arith.constant 0 : index
    %get3A_6 = vector.load %arg4[%get3A_4, %get3A_5] : memref<512x512xf32, #tpu.memory_space<vmem>>, vector<512x512xf32>
    %dot_general3A = arith.constant dense<0.000000e+00> : vector<512x1xf32>
    %dot_general3A_7 = tpu.matmul %get3A_6, %get3A_3, %dot_general3A {dimension_numbers = #tpu.dot_dimension_numbers<[1], [1], [0], [0], [0, 0, 1, 0], [], []>, transpose_lhs_hint = false} : vector<512x512xf32>, vector<1x512xf32>, vector<512x1xf32> -> vector<512x1xf32>
    %get3A_8 = arith.constant 0 : index
    %get3A_9 = arith.constant 0 : index
    %get3A_10 = vector.load %arg6[%get3A_8, %get3A_9] : memref<2x768xf32, #tpu.memory_space<vmem>>, vector<1x768xf32>
    %get3A_11 = arith.constant 1 : index
    %get3A_12 = arith.constant 0 : index
    %get3A_13 = vector.load %arg6[%get3A_11, %get3A_12] : memref<2x768xf32, #tpu.memory_space<vmem>>, vector<1x768xf32>
    %sub3A = arith.subf %get3A_13, %get3A_10 : vector<1x768xf32>
    %get3A_14 = arith.constant 0 : index
    %get3A_15 = arith.constant 0 : index
    %get3A_16 = vector.load %arg2[%get3A_14, %get3A_15] : memref<512x768xf32, #tpu.memory_space<vmem>>, vector<512x768xf32>
    %get3A_17 = arith.constant 0 : index
    %get3A_18 = arith.constant 0 : index
    %get3A_19 = vector.load %arg5[%get3A_17, %get3A_18] : memref<512x768xf32, #tpu.memory_space<vmem>>, vector<512x768xf32>
    %add3A = arith.addf %get3A_16, %get3A_19 : vector<512x768xf32>
    %add3A_20 = vector.broadcast %get3A_10 : vector<1x768xf32> to vector<512x768xf32>
    %add3A_21 = arith.addf %add3A, %add3A_20 : vector<512x768xf32>
    %mul3A = vector.broadcast %dot_general3A_7 : vector<512x1xf32> to vector<512x768xf32>
    %mul3A_22 = vector.broadcast %sub3A : vector<1x768xf32> to vector<512x768xf32>
    %mul3A_23 = arith.mulf %mul3A, %mul3A_22 : vector<512x768xf32>
    %add3A_24 = arith.addf %add3A_21, %mul3A_23 : vector<512x768xf32>
    %reduce_sum3A = arith.constant dense<0.000000e+00> : vector<512xf32>
    %reduce_sum3A_25 = vector.multi_reduction <add>, %add3A_24, %reduce_sum3A [1] : vector<512x768xf32> to vector<512xf32>
    %broadcast_in_dim3A = vector.shape_cast %reduce_sum3A_25 : vector<512xf32> to vector<512x1xf32>
    %mul3A_26 = arith.mulf %add3A_24, %add3A_24 : vector<512x768xf32>
    %reduce_sum3A_27 = arith.constant dense<0.000000e+00> : vector<512xf32>
    %reduce_sum3A_28 = vector.multi_reduction <add>, %mul3A_26, %reduce_sum3A_27 [1] : vector<512x768xf32> to vector<512xf32>
    %broadcast_in_dim3A_29 = vector.shape_cast %reduce_sum3A_28 : vector<512xf32> to vector<512x1xf32>
    %mul3A_30 = arith.constant 0.00130208337 : f32
    %mul3A_31 = vector.broadcast %mul3A_30 : f32 to vector<512x1xf32>
    %mul3A_32 = arith.mulf %broadcast_in_dim3A, %mul3A_31 : vector<512x1xf32>
    %mul3A_33 = arith.constant 0.00130208337 : f32
    %mul3A_34 = vector.broadcast %mul3A_33 : f32 to vector<512x1xf32>
    %mul3A_35 = arith.mulf %broadcast_in_dim3A_29, %mul3A_34 : vector<512x1xf32>
    %mul3A_36 = arith.mulf %mul3A_32, %mul3A_32 : vector<512x1xf32>
    %sub3A_37 = arith.subf %mul3A_35, %mul3A_36 : vector<512x1xf32>
    %max3A = arith.constant 0.000000e+00 : f32
    %max3A_38 = vector.broadcast %max3A : f32 to vector<512x1xf32>
    %max3A_39 = arith.maximumf %sub3A_37, %max3A_38 : vector<512x1xf32>
    %add3A_40 = arith.constant 9.99999996E-13 : f32
    %add3A_41 = vector.broadcast %add3A_40 : f32 to vector<512x1xf32>
    %add3A_42 = arith.addf %max3A_39, %add3A_41 : vector<512x1xf32>
    %rsqrt3A = math.rsqrt %add3A_42 : vector<512x1xf32>
    %sub3A_43 = vector.broadcast %mul3A_32 : vector<512x1xf32> to vector<512x768xf32>
    %sub3A_44 = arith.subf %add3A_24, %sub3A_43 : vector<512x768xf32>
    %mul3A_45 = vector.broadcast %rsqrt3A : vector<512x1xf32> to vector<512x768xf32>
    %mul3A_46 = arith.mulf %sub3A_44, %mul3A_45 : vector<512x768xf32>
    %get3A_47 = arith.constant 0 : index
    %get3A_48 = arith.constant 0 : index
    %get3A_49 = vector.load %arg7[%get3A_47, %get3A_48] : memref<1x768xf32, #tpu.memory_space<vmem>>, vector<1x768xf32>
    %mul3A_50 = vector.broadcast %get3A_49 : vector<1x768xf32> to vector<512x768xf32>
    %mul3A_51 = arith.mulf %mul3A_46, %mul3A_50 : vector<512x768xf32>
    %get3A_52 = arith.constant 0 : index
    %get3A_53 = arith.constant 0 : index
    %get3A_54 = vector.load %arg8[%get3A_52, %get3A_53] : memref<1x768xf32, #tpu.memory_space<vmem>>, vector<1x768xf32>
    %add3A_55 = vector.broadcast %get3A_54 : vector<1x768xf32> to vector<512x768xf32>
    %add3A_56 = arith.addf %mul3A_51, %add3A_55 : vector<512x768xf32>
    %swap3A = arith.constant 0 : index
    %swap3A_57 = arith.constant 0 : index
    %swap3A_58 = vector.load %arg9[%swap3A, %swap3A_57] : memref<512x768xf32, #tpu.memory_space<vmem>>, vector<512x768xf32>
    tpu.vector_store %arg9[%swap3A, %swap3A_57], %add3A_56 {strides = array<i32>} : memref<512x768xf32, #tpu.memory_space<vmem>>, vector<512x768xf32>,
    return
  }
  func.func @transform_1(%arg0: i32) -> (i32, i32) {
    %c0_i32 = arith.constant 0 : i32
    %c0_i32_0 = arith.constant 0 : i32
    return %arg0, %c0_i32 : i32, i32
  }
  func.func @transform_2(%arg0: i32) -> (i32, i32, i32) {
    %add3A = arith.constant 24 : i32
    %add3A_0 = arith.addi %add3A, %arg0 : i32
    %c0_i32 = arith.constant 0 : i32
    %c0_i32_1 = arith.constant 0 : i32
    %c0_i32_2 = arith.constant 0 : i32
    return %add3A_0, %c0_i32, %c0_i32_1 : i32, i32, i32
  }
  func.func @transform_3(%arg0: i32) -> (i32, i32) {
    %c0_i32 = arith.constant 0 : i32
    %c0_i32_0 = arith.constant 0 : i32
    %c0_i32_1 = arith.constant 0 : i32
    return %c0_i32, %c0_i32_0 : i32, i32
  }
  func.func @transform_4(%arg0: i32) -> (i32, i32) {
    %c0_i32 = arith.constant 0 : i32
    %c0_i32_0 = arith.constant 0 : i32
    %c0_i32_1 = arith.constant 0 : i32
    return %c0_i32, %c0_i32_0 : i32, i32
  }
  func.func @transform_5(%arg0: i32) -> (i32, i32) {
    %c0_i32 = arith.constant 0 : i32
    %c0_i32_0 = arith.constant 0 : i32
    %c0_i32_1 = arith.constant 0 : i32
    return %c0_i32, %c0_i32_0 : i32, i32
  }
  func.func @transform_6(%arg0: i32) -> (i32, i32) {
    %c0_i32 = arith.constant 0 : i32
    %c0_i32_0 = arith.constant 0 : i32
    %c0_i32_1 = arith.constant 0 : i32
    return %c0_i32, %c0_i32_0 : i32, i32
  }
  func.func @transform_7(%arg0: i32) -> (i32, i32) {
    %c0_i32 = arith.constant 0 : i32
    %c0_i32_0 = arith.constant 0 : i32
    %c0_i32_1 = arith.constant 0 : i32
    return %c0_i32, %c0_i32_0 : i32, i32
  }
  func.func @transform_8(%arg0: i32) -> (i32, i32) {
    %add3A = arith.constant 24 : i32
    %add3A_0 = arith.addi %add3A, %arg0 : i32
    %c0_i32 = arith.constant 0 : i32
    %c0_i32_1 = arith.constant 0 : i32
    return %add3A_0, %c0_i32 : i32, i32
  }
}

</mosaic_0001>

<sc_bundles>
// kernel: kernel.10.cloned.1.call-start
scs
__scs_entry_jumppad:
0x0: {  	(pc) =	sbr.rel $0x88, $3  }
0x1: {  	(tag) =	ssettag $0x0;
	lr =	simm.s32 $0x1  }
0x2: {  	[smem:$0x3F9A] =	sst lr;
	_ =	strace $0xD0000000  }
0x3: {  	_ = 	snop  }
0x4: {  	_ = 	snop  }
0x5: {  	_ = 	snop  }
0x6: {  	_ = 	snop  }
0x7: {  	_ = 	snop  }
__scs_overlays_trampoline_lowered:
0x8: {  	[smem:$0x3FA9] =	sst s0  }
0x9: {  	[smem:$0x3FAA] =	sst s1  }
0xa: {  	[smem:$0x3FAB] =	sst s2  }
0xb: {  	[smem:$0x3FAC] =	sst s3  }
0xc: {  	[smem:$0x3FAD] =	sst s4  }
0xd: {  	[smem:$0x3FAE] =	sst s5  }
0xe: {  	[smem:$0x3FAF] =	sst s6  }
0xf: {  	[smem:$0x3FB0] =	sst s7  }
0x10: {  	[smem:$0x3FB1] =	sst s8  }
0x11: {  	[smem:$0x3FB2] =	sst s9;
	s0 =	simm.s32 @!p0 $0x0  }
0x12: {  	s1 =	sld [smem:$0x3F98];
	s0 =	simm.s32 @p0 $0x1  }
0x13: {  	[smem:$0x3FB3] =	sst s0;
	s0 =	simm.s32 @!p1 $0x0  }
0x14: {  	s2 =	sld [smem:$0x3F97];
	s0 =	simm.s32 @p1 $0x1  }
0x15: {  	[smem:$0x3FB4] =	sst s0;
	s0 =	simm.s32 @!p2 $0x0  }
0x16: {  	s3 =	sld [smem:$0x3FDB];
	s0 =	simm.s32 @p2 $0x1  }
0x17: {  	s4 =	simm.s32 $0x1BF5;
	[smem:$0x3FB6] =	sst s0  }
0x18: {  	s0 =	sld [smem:$0x3F99];
	_ =	swait.ge [sflag:s4], $0x0  }
0x19: {  	s7 =	sld [smem:$0x3F9A]  }
0x1a: {  	s8 =	sadd.s32 $0xFFFFE003, lr  }
0x1b: {  	s9 =	sadd.s32 $0xFFFFFEF7, lr;
	s5 =	simm.s32 $0xFFFFFFFF;
	p2 =	slt.u32 s8, $0xFFFFF086  }
0x1c: {  	p1 =	slt.u32 s9, $0xF7A;
	s5 =	simm.s32 @!p2 $0x0  }
0x1d: {  	s5 =	simm.s32 @p1 $0x1;
	p0 =	seq.s32 s7, s2  }
0x1e: {  	s7 =	smul.u32 @!p0 $0xF7A, s2;
	p2 =	seq.s32 @!p0 s5, $0x0  }
0x1f: {  	s9 =	smul.u32 $0xF7A, s1;
	s8 =	simm.s32 @!p0 $0x1BF5;
	p2 =	por !p2, p0  }
0x20: {  	[sflag:s8] =	ssyncset.s32 @!p0 $0xFFFFF086;
	s6 =	sadd.s32 @!p0 s3, s7;
	s7 =	simm.s32 @!p0 $0x108  }
0x21: {  	s3 =	sadd.s32 s3, s9;
	s6 =	sadd.s32 @!p0 $0x88, s6;
	s7 =	simm.s32 @p2 $0x1082  }
0x22: {  	[simem:s7], [sflag:s8] =	dma.local @!p0 [hbm:s6], $0xF7A  }
0x23: {  	s9 =	sor.u32 $0xD0000000, s2;
	s6 =	simm.s32 $0x108;
	_ =	swait.ge @!p0 [sflag:s8], $0x0  }
0x24: {  	s3 =	sadd.s32 $0x88, s3;
	s6 =	simm.s32 @!p1 $0x1082;
	[sflag:s4] =	ssyncset.s32 $0xFFFFF086  }
0x25: {  	[simem:s6], [sflag:s4] =	dma.local [hbm:s3], $0xF7A  }
0x26: {  	[smem:$0x3F9A] =	sst s1;
	(tag) =	ssettag s2;
	_ =	strace s9  }
0x27: {  	s1 =	sld [smem:$0x3FAA]  }
0x28: {  	s2 =	sld [smem:$0x3FAB]  }
0x29: {  	s4 =	sld [smem:$0x3FAD]  }
0x2a: {  	p0 =	seq.s32 s5, $0x0;
	s5 =	sld [smem:$0x3FAE]  }
0x2b: {  	s6 =	sld [smem:$0x3FAF]  }
0x2c: {  	s7 =	sld [smem:$0x3FB0]  }
0x2d: {  	s3 =	simm.s32 $0x108;
	s8 =	sld [smem:$0x3FB1]  }
0x2e: {  	s3 =	simm.s32 @!p0 $0x1082;
	s9 =	sld [smem:$0x3FB2]  }
0x2f: {  	lr =	sadd.s32 s0, s3;
	s0 =	sld [smem:$0x3FA9]  }
0x30: {  	s3 =	sld [smem:$0x3FAC]  }
0x31: {  	[smem:$0x3FB5] =	sst s10  }
0x32: {  	s10 =	sld [smem:$0x3FB3];
	_ =	sdelay $0x3  }
0x33: {  	p0 =	seq.s32 s10, $0x1;
	s10 =	sld [smem:$0x3FB5];
	_ =	sdelay $0x3  }
0x34: {  	[smem:$0x3FB5] =	sst s10  }
0x35: {  	s10 =	sld [smem:$0x3FB4];
	_ =	sdelay $0x3  }
0x36: {  	p1 =	seq.s32 s10, $0x1;
	s10 =	sld [smem:$0x3FB5];
	_ =	sdelay $0x3  }
0x37: {  	[smem:$0x3FB5] =	sst s10  }
0x38: {  	s10 =	sld [smem:$0x3FB6]  }
0x39: {  	_ = 	snop;
	(pc) =	sbr.ind lr, $3  }
0x3a: {  	_ = 	snop  }
0x3b: {  	_ = 	snop  }
0x3c: {  	p2 =	seq.s32 s10, $0x1;
	s10 =	sld [smem:$0x3FB5]  }
0x3d: {  	_ =	shalt  }
0x3e: {  	_ =	shalt  }
0x3f: {  	_ =	shalt  }
0x40: {  	_ =	shalt  }
0x41: {  	_ =	shalt  }
0x42: {  	_ =	shalt  }
0x43: {  	_ =	shalt  }
0x44: {  	_ =	shalt  }
0x45: {  	_ =	shalt  }
0x46: {  	_ =	shalt  }
0x47: {  	_ =	shalt  }
0x48: {  	_ =	shalt  }
0x49: {  	_ =	shalt  }
0x4a: {  	_ =	shalt  }
0x4b: {  	_ =	shalt  }
0x4c: {  	_ =	shalt  }
0x4d: {  	_ =	shalt  }
0x4e: {  	_ =	shalt  }
0x4f: {  	_ =	shalt  }
0x50: {  	_ =	shalt  }
0x51: {  	_ =	shalt  }
0x52: {  	_ =	shalt  }
0x53: {  	_ =	shalt  }
0x54: {  	_ =	shalt  }
0x55: {  	_ =	shalt  }
0x56: {  	_ =	shalt  }
0x57: {  	_ =	shalt  }
0x58: {  	_ =	shalt  }
0x59: {  	_ =	shalt  }
0x5a: {  	_ =	shalt  }
0x5b: {  	_ =	shalt  }
0x5c: {  	_ =	shalt  }
0x5d: {  	_ =	shalt  }
0x5e: {  	_ =	shalt  }
0x5f: {  	_ =	shalt  }
0x60: {  	_ =	shalt  }
0x61: {  	_ =	shalt  }
0x62: {  	_ =	shalt  }
0x63: {  	_ =	shalt  }
0x64: {  	_ =	shalt  }
0x65: {  	_ =	shalt  }
0x66: {  	_ =	shalt  }
0x67: {  	_ =	shalt  }
0x68: {  	_ =	shalt  }
0x69: {  	_ =	shalt  }
0x6a: {  	_ =	shalt  }
0x6b: {  	_ =	shalt  }
0x6c: {  	_ =	shalt  }
0x6d: {  	_ =	shalt  }
0x6e: {  	_ =	shalt  }
0x6f: {  	_ =	shalt  }
0x70: {  	_ =	shalt  }
0x71: {  	_ =	shalt  }
0x72: {  	_ =	shalt  }
0x73: {  	_ =	shalt  }
0x74: {  	_ =	shalt  }
0x75: {  	_ =	shalt  }
0x76: {  	_ =	shalt  }
0x77: {  	_ =	shalt  }
0x78: {  	_ =	shalt  }
0x79: {  	_ =	shalt  }
0x7a: {  	_ =	shalt  }
0x7b: {  	_ =	shalt  }
0x7c: {  	_ =	shalt  }
0x7d: {  	_ =	shalt  }
0x7e: {  	_ =	shalt  }
0x7f: {  	_ =	shalt  }
0x80: {  	_ =	shalt  }
0x81: {  	_ =	shalt  }
0x82: {  	_ =	shalt  }
0x83: {  	_ =	shalt  }
0x84: {  	_ =	shalt  }
0x85: {  	_ =	shalt  }
0x86: {  	_ =	shalt  }
0x87: {  	_ =	shalt  }
.Lfunc_end0:
.L_simem_size_0:
called_computation_lowered:
.L_overlay_start_0:
0x88: {  	s2 =	sld [smem:$0x3FD9]  }
0x89: {  	s3 =	sld [smem:$0x3FFE];
	_ =	sdelay $0x1  }
0x8a: {  	s1 =	srdreg.scid  }
0x8b: {  	s0 =	sand.u32 $0x1, s1  }
0x8c: {  	s17 =	sshll.u32 s0, $0xA;
	s2 =	sadd.s32 s3, s2  }
0x8d: {  	s2 =	sadd.s32 s2, s17  }
0x8e: {  	[smem:$0x3FC1] =	sst s2  }
0x8f: {  	_ = 	snop  }
0x90: {  	s2 =	sld [smem:$0x3FC7]  }
0x91: {  	s18 =	sld [smem:$0x3FD0];
	(tm) =	ssettm $0x1  }
0x92: {  	s4 =	sld [smem:$0x3FFB];
	_ =	sdelay $0x3  }
0x93: {  	_ =	strace s4  }
0x94: {  	s4 =	sld [smem:$0x3FFC];
	_ =	sdelay $0x3  }
0x95: {  	_ =	strace s4  }
0x96: {  	s4 =	sld [smem:$0x3FFD];
	_ =	sdelay $0x3  }
0x97: {  	_ =	strace s4  }
0x98: {  	_ =	strace $0x8FFFFFFF  }
0x99: {  	s19 =	sld [smem:$0x3FDB];
	_ =	sdelay $0x1  }
0x9a: {  	s5 =	simm.s32 $_scs_section_size  }
0x9b: {  	s6 =	simm.s32 $_size__tile_overlayer_lowered;
	s7 =	simm.s32 $_tile_overlayer_lowered  }
0x9c: {  	s22 =	simm.s32 $0x1BFF;
	s21 =	sshll.u32 s7, $0x1;
	s4 =	sadd.s32 s5, s19  }
0x9d: {  	s8 =	simm.s32 $0x0;
	s20 =	sshll.u32 s6, $0x1;
	s6 =	sadd.s32 s21, s4  }
0x9e: {  	[timem:s8], [sflag:s22] =	dma.local [hbm:s6], s20  }
0x9f: {  	_ =	swait.ge [sflag:s22], s20  }
0xa0: {  	s5 =	ssub.s32 $0x0, s20;
	[sflag:s22] =	ssyncset.done $0x0  }
0xa1: {  	[sflag:s22] =	ssyncadd.s32 s5;
	_ =	sdelay $0x1  }
0xa2: {  	s23 =	simm.s32 $0x1B8B  }
0xa3: {  	_ =	swait.ge [sflag:s23], $0x1  }
0xa4: {  	[sflag:s23] =	ssyncset.done $0x0  }
0xa5: {  	s25 =	simm.s32 $0x1B8E;
	s24 =	sld [smem:$0x3FFE];
	[sflag:s23] =	ssyncadd.s32 $0xFFFFFFFF  }
0xa6: {  	s26 =	simm.s32 $execute0_lowered;
	[smem:$0x3FD2] =	sst s25  }
0xa7: {  	s6 =	sshll.u32 s26, $0x1;
	_ =	strace $0x80000046;
	[dreg:$0x1] =	wrdreg $0xFFFFFFFF  }
0xa8: {  	s28 =	simm.s32 $_size_execute0_lowered;
	s4 =	sadd.s32 s4, s6;
	[dreg:$0x0] =	wrdreg $0x0  }
0xa9: {  	s6 =	sshll.u32 s28, $0x1;
	[dreg:$0x2] =	wrdreg s4  }
0xaa: {  	[dreg:$0x3] =	wrdreg s6  }
0xab: {  	[dreg:$0x4] =	wrdreg $0xC0  }
0xac: {  	_ =	task [dreg:s8], $0x5FFFF  }
0xad: {  	[dreg:$0x1] =	wrdreg $0xFFFFFFFF  }
0xae: {  	[dreg:$0x0] =	wrdreg $0x60  }
0xaf: {  	[dreg:$0x2] =	wrdreg s2  }
0xb0: {  	[dreg:$0x3] =	wrdreg s24  }
0xb1: {  	[dreg:$0x4] =	wrdreg s18  }
0xb2: {  	[dreg:$0x5] =	wrdreg $0x9  }
0xb3: {  	_ =	task.clear_ibuf [dreg:s8], $0x6FFFF;
	_ =	strace $0x90000046  }
0xb4: {  	s29 =	simm.s32 $0x9;
	_ =	strace $0x80000048  }
0xb5: {  	_ =	swait.ge [sflag:s29], $0x1  }
0xb6: {  	[sflag:s29] =	ssyncadd.s32 $0xFFFFFFFF  }
0xb7: {  	_ =	strace $0x90000048  }
0xb8: {  	_ =	sfence  }
0xb9: {  	s30 =	sld [smem:$0x0];
	_ =	sdelay $0x2  }
0xba: {  	s31 =	sshll.u32 s1, $0xD;
	s1 =	sshrl.u32 s1, $0x2  }
0xbb: {  	s3 =	sand.u32 $0x4000, s31;
	s1 =	sadd.s32 s1, s30  }
0xbc: {  	s0 =	sor.u32 s3, s0;
	s1 =	sshll.u32 s1, $0x11  }
0xbd: {  	s0 =	sor.u32 s1, s0  }
0xbe: {  	s0 =	sadd.s32 $0x8F2B, s0  }
0xbf: {  	[sflag:s0] =	ssyncadd.remote.s32 $0x1  }
0xc0: {  	_ =	sfence.sel $0xFFFF  }
0xc1: {  	[dreg:$0x0] =	wrdreg $0xFFFFFFFF;
	(pc) =	sbr.abs _section_cstart, $3  }
0xc2: {  	[dreg:$0x1] =	wrdreg $0xFFFFFFFF  }
0xc3: {  	_ =	task.clear_ibuf [dreg:s8], $0x2FFFF;
	_ =	strace $0x9FFFFFFF  }
0xc4: {  	(tm) =	ssettm $0x7FFFFFFF  }
0xc5: {  	_ =	shalt  }
tec
execute0_lowered:
.L_overlay_start_1:
0x0: {  	(tag) =	ssettag $0x1  }
0x1: {  	s1 =	rddreg [dreg:$0x0]  }
0x2: {  	s0 =	rddreg [dreg:$0x1]  }
0x3: {  	s2 =	rddreg [dreg:$0x2]  }
0x4: {  	s3 =	srdreg.scid;
	s5 =	stileid.u32;
	s10 =	simm.s32 $0x880  }
0x5: {  	s11 =	simm.s32 $0x1080;
	s12 =	simm.s32 $0x1880;
	s13 =	simm.s32 $0x2080  }
0x6: {  	s14 =	simm.s32 $0x2880;
	s15 =	simm.s32 $0x3080;
	s16 =	simm.s32 $0x3880  }
0x7: {  	s17 =	simm.s32 $0x4080;
	s18 =	simm.s32 $0x4880;
	s19 =	simm.s32 $0x5080  }
0x8: {  	s20 =	simm.s32 $0x5880;
	s21 =	simm.s32 $0x6080;
	s22 =	simm.s32 $0x6880  }
0x9: {  	s23 =	simm.s32 $0x7080;
	s28 =	simm.s32 $0x9080;
	s29 =	simm.s32 $0x9880  }
0xa: {  	s30 =	simm.s32 $0xA080;
	s31 =	simm.s32 $0xA880;
	s4 =	sand.u32 $0x1, s3  }
0xb: {  	s3 =	simm.s32 $0x0;
	s5 =	sshll.u32 s5, $0x5;
	s0 =	sadd.s32 $0x2600, s0  }
0xc: {  	s6 =	sshll.u32 s4, $0x4;
	[smem:$0x7FF] =	sst s3;
	s4 =	ssub.s32 $0x2, s4  }
0xd: {  	s5 =	sor.u32 s6, s5;
	_ =	strace $0x80000047;
	s8 =	sshrl.u32 s4, $0x1  }
0xe: {  	s6 =	smul.u32 $0x300, s5;
	s7 =	sadd.s32 s0, s5;
	s5 =	sor.u32 $0x8, s5  }
0xf: {  	s25 =	ssub.s32 s4, s8;
	s4 =	sadd.s32 $0x100, s1;
	[dreg:$0x4] =	wrdreg s7  }
0x10: {  	s24 =	smul.u32 $0x300, s5;
	s0 =	sadd.s32 s0, s5;
	s5 =	sadd.s32 $0x200, s1  }
0x11: {  	s7 =	simm.s32 $0x2;
	s6 =	sadd.s32 s2, s6;
	[dreg:$0x6] =	wrdreg s0  }
0x12: {  	v2 =	vlaneseq.u32;
	s0 =	simm.s32 $0x80;
	[dreg:$0x5] =	wrdreg s6;
	s26 =	sadd.s32 s2, s24  }
0x13: {  	vm0 =	vmmov $0xffff;
	v1 =	vshrl.u32 v2, $0x3;
	s6 =	smax.u32 s25, $0x1;
	s2 =	simm.s32 $0x1;
	s24 =	simm.s32 $0x7880  }
0x14: {  	v0 =	vand.u32 $0x7, v2;
	v2 =	vor.u32 $0x8, v2;
	v1 =	vmul.u32 $0x8, v1;
	s25 =	simm.s32 $0x8080;
	[dreg:$0x7] =	wrdreg s26;
	s26 =	simm.s32 $0x8880  }
.LBB2_1:
0x15: {  	s9 =	rddreg [dreg:$0x4]  }
0x16: {  	[tilespmem:s3], [sflag:$0x2] =	stream.linear.gather [hbm4b:s9+s3], $0x40, $0x38;
	[tilespmem:$0xC080] =	vst v63  }
0x17: {  	_ =	swait.ge [sflag:s7], $0x40  }
0x18: {  	[sflag:s7] =	ssyncset.done $0x0  }
0x19: {  	[sflag:s7] =	ssyncadd.s32 $0xFFFFFFC0  }
0x1a: {  	v3 =	vld [tilespmem:$0x0];
	_ =	sdelay $0x4  }
0x1b: {  	v4 =	vshrl.u32 v3, $0x3  }
0x1c: {  	v4 =	vmul.u32 $0x30, v4  }
0x1d: {  	v3 =	vand.u32 $0x7, v3  }
0x1e: {  	v3 =	vor.u32 v3, v4  }
0x1f: {  	v4 =	vperm.xlane v3, v0;
	_ =	sdelay $0x1  }
0x20: {  	v4 =	vadd.s32 v1, v4;
	_ =	sdelay $0x3  }
0x21: {  	v3 =	vperm.xlane v3, v2  }
0x22: {  	[tilespmem:s0], [sflag:$0x1] =	stream.indirect_vreg.gather [hbm4b:s1+s3], $0x80, v4, vm0, $0xb8;
	[tilespmem:$0xC080] =	vst v63  }
0x23: {  	v3 =	vadd.s32 v1, v3  }
0x24: {  	[tilespmem:s10], [sflag:$0x1] =	stream.indirect_vreg.gather [hbm4b:s4+s3], $0x80, v4, vm0, $0xb8;
	[tilespmem:$0xC080] =	vst v63  }
0x25: {  	_ = 	snop  }
0x26: {  	[tilespmem:s11], [sflag:$0x1] =	stream.indirect_vreg.gather [hbm4b:s5+s3], $0x80, v4, vm0, $0xb8;
	[tilespmem:$0xC080] =	vst v63  }
0x27: {  	_ = 	snop  }
0x28: {  	[tilespmem:s12], [sflag:$0x1] =	stream.indirect_vreg.gather [hbm4b:s1+s3], $0x80, v3, vm0, $0xb8;
	[tilespmem:$0xC080] =	vst v63  }
0x29: {  	_ = 	snop  }
0x2a: {  	[tilespmem:s13], [sflag:$0x1] =	stream.indirect_vreg.gather [hbm4b:s4+s3], $0x80, v3, vm0, $0xb8;
	[tilespmem:$0xC080] =	vst v63  }
0x2b: {  	_ = 	snop  }
0x2c: {  	[tilespmem:s14], [sflag:$0x1] =	stream.indirect_vreg.gather [hbm4b:s5+s3], $0x80, v3, vm0, $0xb8;
	[tilespmem:$0xC080] =	vst v63  }
0x2d: {  	v3 =	vld [tilespmem:$0x10];
	_ =	sdelay $0x4  }
0x2e: {  	v57 =	vshrl.u32 v3, $0x3  }
0x2f: {  	v4 =	vmul.u32 $0x30, v57  }
0x30: {  	v3 =	vand.u32 $0x7, v3  }
0x31: {  	v3 =	vor.u32 v3, v4  }
0x32: {  	v4 =	vperm.xlane v3, v0;
	_ =	sdelay $0x1  }
0x33: {  	v4 =	vadd.s32 v1, v4;
	_ =	sdelay $0x3  }
0x34: {  	v3 =	vperm.xlane v3, v2  }
0x35: {  	[tilespmem:s15], [sflag:$0x1] =	stream.indirect_vreg.gather [hbm4b:s1+s3], $0x80, v4, vm0, $0xb8;
	[tilespmem:$0xC080] =	vst v63  }
0x36: {  	v3 =	vadd.s32 v1, v3  }
0x37: {  	[tilespmem:s16], [sflag:$0x1] =	stream.indirect_vreg.gather [hbm4b:s4+s3], $0x80, v4, vm0, $0xb8;
	[tilespmem:$0xC080] =	vst v63  }
0x38: {  	_ = 	snop  }
0x39: {  	[tilespmem:s17], [sflag:$0x1] =	stream.indirect_vreg.gather [hbm4b:s5+s3], $0x80, v4, vm0, $0xb8;
	[tilespmem:$0xC080] =	vst v63  }
0x3a: {  	_ = 	snop  }
0x3b: {  	[tilespmem:s18], [sflag:$0x1] =	stream.indirect_vreg.gather [hbm4b:s1+s3], $0x80, v3, vm0, $0xb8;
	[tilespmem:$0xC080] =	vst v63  }
0x3c: {  	_ = 	snop  }
0x3d: {  	[tilespmem:s19], [sflag:$0x1] =	stream.indirect_vreg.gather [hbm4b:s4+s3], $0x80, v3, vm0, $0xb8;
	[tilespmem:$0xC080] =	vst v63  }
0x3e: {  	_ = 	snop  }
0x3f: {  	[tilespmem:s20], [sflag:$0x1] =	stream.indirect_vreg.gather [hbm4b:s5+s3], $0x80, v3, vm0, $0xb8;
	[tilespmem:$0xC080] =	vst v63  }
0x40: {  	v3 =	vld [tilespmem:$0x20];
	_ =	sdelay $0x4  }
0x41: {  	v58 =	vshrl.u32 v3, $0x3  }
0x42: {  	v4 =	vmul.u32 $0x30, v58  }
0x43: {  	v3 =	vand.u32 $0x7, v3  }
0x44: {  	v3 =	vor.u32 v3, v4  }
0x45: {  	v4 =	vperm.xlane v3, v0;
	_ =	sdelay $0x1  }
0x46: {  	v4 =	vadd.s32 v1, v4;
	_ =	sdelay $0x3  }
0x47: {  	v3 =	vperm.xlane v3, v2  }
0x48: {  	[tilespmem:s21], [sflag:$0x1] =	stream.indirect_vreg.gather [hbm4b:s1+s3], $0x80, v4, vm0, $0xb8;
	[tilespmem:$0xC080] =	vst v63  }
0x49: {  	v3 =	vadd.s32 v1, v3  }
0x4a: {  	[tilespmem:s22], [sflag:$0x1] =	stream.indirect_vreg.gather [hbm4b:s4+s3], $0x80, v4, vm0, $0xb8;
	[tilespmem:$0xC080] =	vst v63  }
0x4b: {  	_ = 	snop  }
0x4c: {  	[tilespmem:s23], [sflag:$0x1] =	stream.indirect_vreg.gather [hbm4b:s5+s3], $0x80, v4, vm0, $0xb8;
	[tilespmem:$0xC080] =	vst v63  }
0x4d: {  	_ = 	snop  }
0x4e: {  	[tilespmem:s24], [sflag:$0x1] =	stream.indirect_vreg.gather [hbm4b:s1+s3], $0x80, v3, vm0, $0xb8;
	[tilespmem:$0xC080] =	vst v63  }
0x4f: {  	_ = 	snop  }
0x50: {  	[tilespmem:s25], [sflag:$0x1] =	stream.indirect_vreg.gather [hbm4b:s4+s3], $0x80, v3, vm0, $0xb8;
	[tilespmem:$0xC080] =	vst v63  }
0x51: {  	_ = 	snop  }
0x52: {  	[tilespmem:s26], [sflag:$0x1] =	stream.indirect_vreg.gather [hbm4b:s5+s3], $0x80, v3, vm0, $0xb8;
	[tilespmem:$0xC080] =	vst v63  }
0x53: {  	v3 =	vld [tilespmem:$0x30];
	_ =	sdelay $0x4  }
0x54: {  	v59 =	vshrl.u32 v3, $0x3  }
0x55: {  	v4 =	vmul.u32 $0x30, v59  }
0x56: {  	v3 =	vand.u32 $0x7, v3  }
0x57: {  	v3 =	vor.u32 v3, v4  }
0x58: {  	v4 =	vperm.xlane v3, v0;
	_ =	sdelay $0x1  }
0x59: {  	v4 =	vadd.s32 v1, v4;
	_ =	sdelay $0x3  }
0x5a: {  	v3 =	vperm.xlane v3, v2  }
0x5b: {  	[tilespmem:s28], [sflag:$0x1] =	stream.indirect_vreg.gather [hbm4b:s1+s3], $0x80, v4, vm0, $0xb8;
	[tilespmem:$0xC080] =	vst v63  }
0x5c: {  	v3 =	vadd.s32 v1, v3  }
0x5d: {  	[tilespmem:s29], [sflag:$0x1] =	stream.indirect_vreg.gather [hbm4b:s4+s3], $0x80, v4, vm0, $0xb8;
	[tilespmem:$0xC080] =	vst v63  }
0x5e: {  	_ = 	snop  }
0x5f: {  	[tilespmem:s30], [sflag:$0x1] =	stream.indirect_vreg.gather [hbm4b:s5+s3], $0x80, v4, vm0, $0xb8;
	[tilespmem:$0xC080] =	vst v63  }
0x60: {  	_ = 	snop  }
0x61: {  	[tilespmem:s31], [sflag:$0x1] =	stream.indirect_vreg.gather [hbm4b:s1+s3], $0x80, v3, vm0, $0xb8;
	[tilespmem:$0xC080] =	vst v63  }
0x62: {  	s8 =	simm.s32 $0xB080  }
0x63: {  	[tilespmem:s8], [sflag:$0x1] =	stream.indirect_vreg.gather [hbm4b:s4+s3], $0x80, v3, vm0, $0xb8;
	[tilespmem:$0xC080] =	vst v63  }
0x64: {  	s8 =	simm.s32 $0xB880  }
0x65: {  	[tilespmem:s8], [sflag:$0x1] =	stream.indirect_vreg.gather [hbm4b:s5+s3], $0x80, v3, vm0, $0xb8;
	[tilespmem:$0xC080] =	vst v63  }
0x66: {  	_ =	swait.ge [sflag:s2], $0xC000  }
0x67: {  	[sflag:s2] =	ssyncset.done $0x0  }
0x68: {  	s9 =	rddreg [dreg:$0x5];
	[sflag:s2] =	ssyncadd.s32 $0xFFFF4000  }
0x69: {  	[hbm4b:s9+s3] =	stream.linear.scatter [tilespmem:s0], [sflag:$0x2], $0xC000, $0x38;
	[tilespmem:$0xC080] =	vst v63  }
0x6a: {  	_ =	swait.ge [sflag:s7], $0xC000  }
0x6b: {  	[sflag:s7] =	ssyncset.done $0x0  }
0x6c: {  	s9 =	rddreg [dreg:$0x6];
	[sflag:s7] =	ssyncadd.s32 $0xFFFF4000  }
0x6d: {  	[tilespmem:s3], [sflag:$0x2] =	stream.linear.gather [hbm4b:s9+s3], $0x40, $0x38;
	[tilespmem:$0xC080] =	vst v63  }
0x6e: {  	_ =	swait.ge [sflag:s7], $0x40  }
0x6f: {  	[sflag:s7] =	ssyncset.done $0x0  }
0x70: {  	[sflag:s7] =	ssyncadd.s32 $0xFFFFFFC0  }
0x71: {  	v3 =	vld [tilespmem:$0x0];
	_ =	sdelay $0x4  }
0x72: {  	v60 =	vshrl.u32 v3, $0x3  }
0x73: {  	v4 =	vmul.u32 $0x30, v60  }
0x74: {  	v3 =	vand.u32 $0x7, v3  }
0x75: {  	v3 =	vor.u32 v3, v4  }
0x76: {  	v4 =	vperm.xlane v3, v0;
	_ =	sdelay $0x1  }
0x77: {  	v4 =	vadd.s32 v1, v4;
	_ =	sdelay $0x3  }
0x78: {  	v3 =	vperm.xlane v3, v2  }
0x79: {  	[tilespmem:s0], [sflag:$0x1] =	stream.indirect_vreg.gather [hbm4b:s1+s3], $0x80, v4, vm0, $0xb8;
	[tilespmem:$0xC080] =	vst v63  }
0x7a: {  	v3 =	vadd.s32 v1, v3  }
0x7b: {  	[tilespmem:s10], [sflag:$0x1] =	stream.indirect_vreg.gather [hbm4b:s4+s3], $0x80, v4, vm0, $0xb8;
	[tilespmem:$0xC080] =	vst v63  }
0x7c: {  	_ = 	snop  }
0x7d: {  	[tilespmem:s11], [sflag:$0x1] =	stream.indirect_vreg.gather [hbm4b:s5+s3], $0x80, v4, vm0, $0xb8;
	[tilespmem:$0xC080] =	vst v63  }
0x7e: {  	_ = 	snop  }
0x7f: {  	[tilespmem:s12], [sflag:$0x1] =	stream.indirect_vreg.gather [hbm4b:s1+s3], $0x80, v3, vm0, $0xb8;
	[tilespmem:$0xC080] =	vst v63  }
0x80: {  	_ = 	snop  }
0x81: {  	[tilespmem:s13], [sflag:$0x1] =	stream.indirect_vreg.gather [hbm4b:s4+s3], $0x80, v3, vm0, $0xb8;
	[tilespmem:$0xC080] =	vst v63  }
0x82: {  	_ = 	snop  }
0x83: {  	[tilespmem:s14], [sflag:$0x1] =	stream.indirect_vreg.gather [hbm4b:s5+s3], $0x80, v3, vm0, $0xb8;
	[tilespmem:$0xC080] =	vst v63  }
0x84: {  	v3 =	vld [tilespmem:$0x10];
	_ =	sdelay $0x4  }
0x85: {  	v61 =	vshrl.u32 v3, $0x3  }
0x86: {  	v4 =	vmul.u32 $0x30, v61  }
0x87: {  	v3 =	vand.u32 $0x7, v3  }
0x88: {  	v3 =	vor.u32 v3, v4  }
0x89: {  	v4 =	vperm.xlane v3, v0;
	_ =	sdelay $0x1  }
0x8a: {  	v4 =	vadd.s32 v1, v4;
	_ =	sdelay $0x3  }
0x8b: {  	v3 =	vperm.xlane v3, v2  }
0x8c: {  	[tilespmem:s15], [sflag:$0x1] =	stream.indirect_vreg.gather [hbm4b:s1+s3], $0x80, v4, vm0, $0xb8;
	[tilespmem:$0xC080] =	vst v63  }
0x8d: {  	v3 =	vadd.s32 v1, v3  }
0x8e: {  	[tilespmem:s16], [sflag:$0x1] =	stream.indirect_vreg.gather [hbm4b:s4+s3], $0x80, v4, vm0, $0xb8;
	[tilespmem:$0xC080] =	vst v63  }
0x8f: {  	_ = 	snop  }
0x90: {  	[tilespmem:s17], [sflag:$0x1] =	stream.indirect_vreg.gather [hbm4b:s5+s3], $0x80, v4, vm0, $0xb8;
	[tilespmem:$0xC080] =	vst v63  }
0x91: {  	_ = 	snop  }
0x92: {  	[tilespmem:s18], [sflag:$0x1] =	stream.indirect_vreg.gather [hbm4b:s1+s3], $0x80, v3, vm0, $0xb8;
	[tilespmem:$0xC080] =	vst v63  }
0x93: {  	_ = 	snop  }
0x94: {  	[tilespmem:s19], [sflag:$0x1] =	stream.indirect_vreg.gather [hbm4b:s4+s3], $0x80, v3, vm0, $0xb8;
	[tilespmem:$0xC080] =	vst v63  }
0x95: {  	_ = 	snop  }
0x96: {  	[tilespmem:s20], [sflag:$0x1] =	stream.indirect_vreg.gather [hbm4b:s5+s3], $0x80, v3, vm0, $0xb8;
	[tilespmem:$0xC080] =	vst v63  }
0x97: {  	v3 =	vld [tilespmem:$0x20];
	_ =	sdelay $0x4  }
0x98: {  	v62 =	vshrl.u32 v3, $0x3  }
0x99: {  	v4 =	vmul.u32 $0x30, v62  }
0x9a: {  	v3 =	vand.u32 $0x7, v3  }
0x9b: {  	v3 =	vor.u32 v3, v4  }
0x9c: {  	v4 =	vperm.xlane v3, v0;
	_ =	sdelay $0x1  }
0x9d: {  	v4 =	vadd.s32 v1, v4;
	_ =	sdelay $0x3  }
0x9e: {  	v3 =	vperm.xlane v3, v2  }
0x9f: {  	[tilespmem:s21], [sflag:$0x1] =	stream.indirect_vreg.gather [hbm4b:s1+s3], $0x80, v4, vm0, $0xb8;
	[tilespmem:$0xC080] =	vst v63  }
0xa0: {  	v3 =	vadd.s32 v1, v3  }
0xa1: {  	[tilespmem:s22], [sflag:$0x1] =	stream.indirect_vreg.gather [hbm4b:s4+s3], $0x80, v4, vm0, $0xb8;
	[tilespmem:$0xC080] =	vst v63  }
0xa2: {  	_ = 	snop  }
0xa3: {  	[tilespmem:s23], [sflag:$0x1] =	stream.indirect_vreg.gather [hbm4b:s5+s3], $0x80, v4, vm0, $0xb8;
	[tilespmem:$0xC080] =	vst v63  }
0xa4: {  	_ = 	snop  }
0xa5: {  	[tilespmem:s24], [sflag:$0x1] =	stream.indirect_vreg.gather [hbm4b:s1+s3], $0x80, v3, vm0, $0xb8;
	[tilespmem:$0xC080] =	vst v63  }
0xa6: {  	_ = 	snop  }
0xa7: {  	[tilespmem:s25], [sflag:$0x1] =	stream.indirect_vreg.gather [hbm4b:s4+s3], $0x80, v3, vm0, $0xb8;
	[tilespmem:$0xC080] =	vst v63  }
0xa8: {  	_ = 	snop  }
0xa9: {  	[tilespmem:s26], [sflag:$0x1] =	stream.indirect_vreg.gather [hbm4b:s5+s3], $0x80, v3, vm0, $0xb8;
	[tilespmem:$0xC080] =	vst v63  }
0xaa: {  	v3 =	vld [tilespmem:$0x30];
	_ =	sdelay $0x4  }
0xab: {  	v63 =	vshrl.u32 v3, $0x3  }
0xac: {  	v4 =	vmul.u32 $0x30, v63  }
0xad: {  	v3 =	vand.u32 $0x7, v3  }
0xae: {  	v3 =	vor.u32 v3, v4  }
0xaf: {  	v4 =	vperm.xlane v3, v0;
	_ =	sdelay $0x1  }
0xb0: {  	v4 =	vadd.s32 v1, v4;
	_ =	sdelay $0x3  }
0xb1: {  	v3 =	vperm.xlane v3, v2  }
0xb2: {  	[tilespmem:s28], [sflag:$0x1] =	stream.indirect_vreg.gather [hbm4b:s1+s3], $0x80, v4, vm0, $0xb8;
	[tilespmem:$0xC080] =	vst v63  }
0xb3: {  	v3 =	vadd.s32 v1, v3  }
0xb4: {  	[tilespmem:s29], [sflag:$0x1] =	stream.indirect_vreg.gather [hbm4b:s4+s3], $0x80, v4, vm0, $0xb8;
	[tilespmem:$0xC080] =	vst v63  }
0xb5: {  	_ = 	snop  }
0xb6: {  	[tilespmem:s30], [sflag:$0x1] =	stream.indirect_vreg.gather [hbm4b:s5+s3], $0x80, v4, vm0, $0xb8;
	[tilespmem:$0xC080] =	vst v63  }
0xb7: {  	_ = 	snop  }
0xb8: {  	[tilespmem:s31], [sflag:$0x1] =	stream.indirect_vreg.gather [hbm4b:s1+s3], $0x80, v3, vm0, $0xb8;
	[tilespmem:$0xC080] =	vst v63  }
0xb9: {  	s9 =	simm.s32 $0xB080  }
0xba: {  	[tilespmem:s9], [sflag:$0x1] =	stream.indirect_vreg.gather [hbm4b:s4+s3], $0x80, v3, vm0, $0xb8;
	[tilespmem:$0xC080] =	vst v63  }
0xbb: {  	_ = 	snop  }
0xbc: {  	[tilespmem:s8], [sflag:$0x1] =	stream.indirect_vreg.gather [hbm4b:s5+s3], $0x80, v3, vm0, $0xb8;
	[tilespmem:$0xC080] =	vst v63  }
0xbd: {  	_ =	swait.ge [sflag:s2], $0xC000  }
0xbe: {  	p0 =	sne.s32 s6, $0x1;
	[sflag:s2] =	ssyncset.done $0x0  }
.Ltmp0:
0xbf: {  	s8 =	rddreg [dreg:$0x7];
	[sflag:s2] =	ssyncadd.s32 $0xFFFF4000;
	(pc) =	sbr.rel @p0 .LBB2_1-.Ltmp0, $4  }
0xc0: {  	[hbm4b:s8+s3] =	stream.linear.scatter [tilespmem:s0], [sflag:$0x2], $0xC000, $0x38;
	[tilespmem:$0xC080] =	vst v63  }
0xc1: {  	_ =	swait.ge [sflag:s7], $0xC000  }
0xc2: {  	[sflag:s7] =	ssyncset.done $0x0  }
0xc3: {  	s6 =	sadd.s32 $0xFFFFFFFF, s6;
	[sflag:s7] =	ssyncadd.s32 $0xFFFF4000  }
0xc4: {  	_ =	sfence.sel $0x180000  }
0xc5: {  	[bflag:$0x0] =	sbarrier.arrive $0xFFFF  }
0xc6: {  	_ =	strace $0x90000047  }
0xc7: {  	s0 =	stileid.u32;
	[bflag:$0x2] =	sbarrier.arrive $0xFFFF  }
0xc8: {  	p0 =	sne.s32 s0, $0x0;
	s0 =	rddreg [dreg:$0x3]  }
0xc9: {  	s0 =	sadd.s32 @!p0 $0x100000, s0  }
0xca: {  	[sflag:s0] =	ssyncadd.tile.s32 @!p0 $0x1;
	_ =	shalt  }
.Lfunc_end2:
_tile_overlayer_lowered:
.L_overlay_start_2:
0xcb: {  	(tag) =	ssettag $0x2  }
0xcc: {  	s0 =	rddreg [dreg:$0x0];
	s2 =	stileid.u32  }
0xcd: {  	s1 =	rddreg [dreg:$0x1];
	p0 =	sne.s32 s2, $0x0  }
0xce: {  	s3 =	rddreg [dreg:$0x2];
	[bflag:$0x3] =	sbarrier.arrive $0xFFFF;
	s2 =	simm.s32 @!p0 $0x1C02  }
0xcf: {  	[timem:s3], [sflag:s2] =	dma.local @!p0 [hbm:s0], s1  }
0xd0: {  	s0 =	simm.s32 @!p0 $0x2  }
0xd1: {  	_ =	swait.ge @!p0 [sflag:s0], s1  }
0xd2: {  	s1 =	ssub.s32 @!p0 $0x0, s1;
	[sflag:s0] =	ssyncset.done @!p0 $0x0  }
0xd3: {  	[sflag:s0] =	ssyncadd.s32 @!p0 s1  }
0xd4: {  	[bflag:$0x3] =	sbarrier.arrive $0xFFFF  }
0xd5: {  	_ =	shalt  }

// kernel: kernel.13.cloned.1.call-start
scs
__scs_entry_jumppad:
0x0: {  	(pc) =	sbr.rel $0x88, $3  }
0x1: {  	(tag) =	ssettag $0x0;
	lr =	simm.s32 $0x1  }
0x2: {  	[smem:$0x3F9A] =	sst lr;
	_ =	strace $0xD0000000  }
0x3: {  	_ = 	snop  }
0x4: {  	_ = 	snop  }
0x5: {  	_ = 	snop  }
0x6: {  	_ = 	snop  }
0x7: {  	_ = 	snop  }
__scs_overlays_trampoline_lowered:
0x8: {  	[smem:$0x3FA9] =	sst s0  }
0x9: {  	[smem:$0x3FAA] =	sst s1  }
0xa: {  	[smem:$0x3FAB] =	sst s2  }
0xb: {  	[smem:$0x3FAC] =	sst s3  }
0xc: {  	[smem:$0x3FAD] =	sst s4  }
0xd: {  	[smem:$0x3FAE] =	sst s5  }
0xe: {  	[smem:$0x3FAF] =	sst s6  }
0xf: {  	[smem:$0x3FB0] =	sst s7  }
0x10: {  	[smem:$0x3FB1] =	sst s8  }
0x11: {  	[smem:$0x3FB2] =	sst s9;
	s0 =	simm.s32 @!p0 $0x0  }
0x12: {  	s1 =	sld [smem:$0x3F98];
	s0 =	simm.s32 @p0 $0x1  }
0x13: {  	[smem:$0x3FB3] =	sst s0;
	s0 =	simm.s32 @!p1 $0x0  }
0x14: {  	s2 =	sld [smem:$0x3F97];
	s0 =	simm.s32 @p1 $0x1  }
0x15: {  	[smem:$0x3FB4] =	sst s0;
	s0 =	simm.s32 @!p2 $0x0  }
0x16: {  	s3 =	sld [smem:$0x3FDB];
	s0 =	simm.s32 @p2 $0x1  }
0x17: {  	s4 =	simm.s32 $0x1BF5;
	[smem:$0x3FB6] =	sst s0  }
0x18: {  	s0 =	sld [smem:$0x3F99];
	_ =	swait.ge [sflag:s4], $0x0  }
0x19: {  	s7 =	sld [smem:$0x3F9A]  }
0x1a: {  	s8 =	sadd.s32 $0xFFFFE003, lr  }
0x1b: {  	s9 =	sadd.s32 $0xFFFFFEF7, lr;
	s5 =	simm.s32 $0xFFFFFFFF;
	p2 =	slt.u32 s8, $0xFFFFF086  }
0x1c: {  	p1 =	slt.u32 s9, $0xF7A;
	s5 =	simm.s32 @!p2 $0x0  }
0x1d: {  	s5 =	simm.s32 @p1 $0x1;
	p0 =	seq.s32 s7, s2  }
0x1e: {  	s7 =	smul.u32 @!p0 $0xF7A, s2;
	p2 =	seq.s32 @!p0 s5, $0x0  }
0x1f: {  	s9 =	smul.u32 $0xF7A, s1;
	s8 =	simm.s32 @!p0 $0x1BF5;
	p2 =	por !p2, p0  }
0x20: {  	[sflag:s8] =	ssyncset.s32 @!p0 $0xFFFFF086;
	s6 =	sadd.s32 @!p0 s3, s7;
	s7 =	simm.s32 @!p0 $0x108  }
0x21: {  	s3 =	sadd.s32 s3, s9;
	s6 =	sadd.s32 @!p0 $0x88, s6;
	s7 =	simm.s32 @p2 $0x1082  }
0x22: {  	[simem:s7], [sflag:s8] =	dma.local @!p0 [hbm:s6], $0xF7A  }
0x23: {  	s9 =	sor.u32 $0xD0000000, s2;
	s6 =	simm.s32 $0x108;
	_ =	swait.ge @!p0 [sflag:s8], $0x0  }
0x24: {  	s3 =	sadd.s32 $0x88, s3;
	s6 =	simm.s32 @!p1 $0x1082;
	[sflag:s4] =	ssyncset.s32 $0xFFFFF086  }
0x25: {  	[simem:s6], [sflag:s4] =	dma.local [hbm:s3], $0xF7A  }
0x26: {  	[smem:$0x3F9A] =	sst s1;
	(tag) =	ssettag s2;
	_ =	strace s9  }
0x27: {  	s1 =	sld [smem:$0x3FAA]  }
0x28: {  	s2 =	sld [smem:$0x3FAB]  }
0x29: {  	s4 =	sld [smem:$0x3FAD]  }
0x2a: {  	p0 =	seq.s32 s5, $0x0;
	s5 =	sld [smem:$0x3FAE]  }
0x2b: {  	s6 =	sld [smem:$0x3FAF]  }
0x2c: {  	s7 =	sld [smem:$0x3FB0]  }
0x2d: {  	s3 =	simm.s32 $0x108;
	s8 =	sld [smem:$0x3FB1]  }
0x2e: {  	s3 =	simm.s32 @!p0 $0x1082;
	s9 =	sld [smem:$0x3FB2]  }
0x2f: {  	lr =	sadd.s32 s0, s3;
	s0 =	sld [smem:$0x3FA9]  }
0x30: {  	s3 =	sld [smem:$0x3FAC]  }
0x31: {  	[smem:$0x3FB5] =	sst s10  }
0x32: {  	s10 =	sld [smem:$0x3FB3];
	_ =	sdelay $0x3  }
0x33: {  	p0 =	seq.s32 s10, $0x1;
	s10 =	sld [smem:$0x3FB5];
	_ =	sdelay $0x3  }
0x34: {  	[smem:$0x3FB5] =	sst s10  }
0x35: {  	s10 =	sld [smem:$0x3FB4];
	_ =	sdelay $0x3  }
0x36: {  	p1 =	seq.s32 s10, $0x1;
	s10 =	sld [smem:$0x3FB5];
	_ =	sdelay $0x3  }
0x37: {  	[smem:$0x3FB5] =	sst s10  }
0x38: {  	s10 =	sld [smem:$0x3FB6]  }
0x39: {  	_ = 	snop;
	(pc) =	sbr.ind lr, $3  }
0x3a: {  	_ = 	snop  }
0x3b: {  	_ = 	snop  }
0x3c: {  	p2 =	seq.s32 s10, $0x1;
	s10 =	sld [smem:$0x3FB5]  }
0x3d: {  	_ =	shalt  }
0x3e: {  	_ =	shalt  }
0x3f: {  	_ =	shalt  }
0x40: {  	_ =	shalt  }
0x41: {  	_ =	shalt  }
0x42: {  	_ =	shalt  }
0x43: {  	_ =	shalt  }
0x44: {  	_ =	shalt  }
0x45: {  	_ =	shalt  }
0x46: {  	_ =	shalt  }
0x47: {  	_ =	shalt  }
0x48: {  	_ =	shalt  }
0x49: {  	_ =	shalt  }
0x4a: {  	_ =	shalt  }
0x4b: {  	_ =	shalt  }
0x4c: {  	_ =	shalt  }
0x4d: {  	_ =	shalt  }
0x4e: {  	_ =	shalt  }
0x4f: {  	_ =	shalt  }
0x50: {  	_ =	shalt  }
0x51: {  	_ =	shalt  }
0x52: {  	_ =	shalt  }
0x53: {  	_ =	shalt  }
0x54: {  	_ =	shalt  }
0x55: {  	_ =	shalt  }
0x56: {  	_ =	shalt  }
0x57: {  	_ =	shalt  }
0x58: {  	_ =	shalt  }
0x59: {  	_ =	shalt  }
0x5a: {  	_ =	shalt  }
0x5b: {  	_ =	shalt  }
0x5c: {  	_ =	shalt  }
0x5d: {  	_ =	shalt  }
0x5e: {  	_ =	shalt  }
0x5f: {  	_ =	shalt  }
0x60: {  	_ =	shalt  }
0x61: {  	_ =	shalt  }
0x62: {  	_ =	shalt  }
0x63: {  	_ =	shalt  }
0x64: {  	_ =	shalt  }
0x65: {  	_ =	shalt  }
0x66: {  	_ =	shalt  }
0x67: {  	_ =	shalt  }
0x68: {  	_ =	shalt  }
0x69: {  	_ =	shalt  }
0x6a: {  	_ =	shalt  }
0x6b: {  	_ =	shalt  }
0x6c: {  	_ =	shalt  }
0x6d: {  	_ =	shalt  }
0x6e: {  	_ =	shalt  }
0x6f: {  	_ =	shalt  }
0x70: {  	_ =	shalt  }
0x71: {  	_ =	shalt  }
0x72: {  	_ =	shalt  }
0x73: {  	_ =	shalt  }
0x74: {  	_ =	shalt  }
0x75: {  	_ =	shalt  }
0x76: {  	_ =	shalt  }
0x77: {  	_ =	shalt  }
0x78: {  	_ =	shalt  }
0x79: {  	_ =	shalt  }
0x7a: {  	_ =	shalt  }
0x7b: {  	_ =	shalt  }
0x7c: {  	_ =	shalt  }
0x7d: {  	_ =	shalt  }
0x7e: {  	_ =	shalt  }
0x7f: {  	_ =	shalt  }
0x80: {  	_ =	shalt  }
0x81: {  	_ =	shalt  }
0x82: {  	_ =	shalt  }
0x83: {  	_ =	shalt  }
0x84: {  	_ =	shalt  }
0x85: {  	_ =	shalt  }
0x86: {  	_ =	shalt  }
0x87: {  	_ =	shalt  }
.Lfunc_end0:
.L_simem_size_0:
called_computation.1_lowered:
.L_overlay_start_0:
0x88: {  	s2 =	sld [smem:$0x3FD9]  }
0x89: {  	s3 =	sld [smem:$0x3FFE];
	_ =	sdelay $0x1  }
0x8a: {  	s1 =	srdreg.scid  }
0x8b: {  	s0 =	sand.u32 $0x1, s1  }
0x8c: {  	s17 =	sshll.u32 s0, $0xA;
	s2 =	sadd.s32 s3, s2  }
0x8d: {  	s2 =	sadd.s32 s2, s17  }
0x8e: {  	[smem:$0x3FC1] =	sst s2  }
0x8f: {  	_ = 	snop  }
0x90: {  	s18 =	sld [smem:$0x3FC7];
	(tm) =	ssettm $0x1  }
0x91: {  	s19 =	sld [smem:$0x3FFB];
	_ =	sdelay $0x3  }
0x92: {  	_ =	strace s19  }
0x93: {  	s2 =	sld [smem:$0x3FFC];
	_ =	sdelay $0x3  }
0x94: {  	_ =	strace s2  }
0x95: {  	s2 =	sld [smem:$0x3FFD];
	_ =	sdelay $0x3  }
0x96: {  	_ =	strace s2  }
0x97: {  	_ =	strace $0x8FFFFFFF  }
0x98: {  	s20 =	sld [smem:$0x3FDB];
	_ =	sdelay $0x1  }
0x99: {  	s4 =	simm.s32 $_scs_section_size  }
0x9a: {  	s5 =	simm.s32 $_size__tile_overlayer_lowered;
	s6 =	simm.s32 $_tile_overlayer_lowered  }
0x9b: {  	s7 =	simm.s32 $0x1BFF;
	s21 =	sshll.u32 s6, $0x1;
	s4 =	sadd.s32 s4, s20  }
0x9c: {  	s22 =	simm.s32 $0x0;
	s5 =	sshll.u32 s5, $0x1;
	s6 =	sadd.s32 s21, s4  }
0x9d: {  	[timem:s22], [sflag:s7] =	dma.local [hbm:s6], s5  }
0x9e: {  	_ =	swait.ge [sflag:s7], s5  }
0x9f: {  	s5 =	ssub.s32 $0x0, s5;
	[sflag:s7] =	ssyncset.done $0x0  }
0xa0: {  	[sflag:s7] =	ssyncadd.s32 s5;
	_ =	sdelay $0x1  }
0xa1: {  	s23 =	simm.s32 $0x1B8B  }
0xa2: {  	_ =	swait.ge [sflag:s23], $0x1  }
0xa3: {  	[sflag:s23] =	ssyncset.done $0x0  }
0xa4: {  	[sflag:s23] =	ssyncadd.s32 $0xFFFFFFFF  }
0xa5: {  	s5 =	sld [smem:$0x0]  }
0xa6: {  	s6 =	sand.u32 $0xFFFFFFFE, s1  }
0xa7: {  	p0 =	sne.s32 s1, s6  }
0xa8: {  	s6 =	sshll.u32 @p0 s6, $0xE  }
0xa9: {  	s6 =	sadd.s32 @p0 $0x11B8D, s6;
	s7 =	sshll.u32 @p0 s5, $0x11  }
0xaa: {  	s6 =	sor.u32 @p0 s7, s6  }
0xab: {  	[sflag:s6] =	ssyncadd.remote.s32 @p0 $0x1;
	_ =	sdelay $0x1  }
0xac: {  	s6 =	simm.s32 @p0 $0x1B8D  }
0xad: {  	_ =	swait.eq @p0 [sflag:s6], $0x1  }
0xae: {  	[sflag:s6] =	ssyncadd.s32 @p0 $0xFFFFFFFF  }
0xaf: {  	s7 =	sshll.u32 @!p0 s1, $0xE  }
0xb0: {  	s7 =	sor.u32 @!p0 $0x4000, s7;
	s6 =	simm.s32 @!p0 $0x1B8D  }
0xb1: {  	s5 =	sshll.u32 @!p0 s5, $0x11;
	s7 =	sadd.s32 @!p0 $0x11B8D, s7;
	_ =	swait.eq @!p0 [sflag:s6], $0x1  }
0xb2: {  	s5 =	sor.u32 @!p0 s5, s7;
	[sflag:s6] =	ssyncadd.s32 @!p0 $0xFFFFFFFF  }
0xb3: {  	s25 =	simm.s32 $0x1B8E;
	s24 =	sld [smem:$0x3FFE];
	[sflag:s5] =	ssyncadd.remote.s32 @!p0 $0x1  }
0xb4: {  	s26 =	simm.s32 $execute0_lowered;
	[smem:$0x3FD2] =	sst s25  }
0xb5: {  	s6 =	sshll.u32 s26, $0x1;
	_ =	strace $0x80000049;
	[dreg:$0x1] =	wrdreg $0xFFFFFFFF  }
0xb6: {  	s28 =	simm.s32 $_size_execute0_lowered;
	s4 =	sadd.s32 s4, s6;
	[dreg:$0x0] =	wrdreg $0x0  }
0xb7: {  	s6 =	sshll.u32 s28, $0x1;
	[dreg:$0x2] =	wrdreg s4  }
0xb8: {  	[dreg:$0x3] =	wrdreg s6  }
0xb9: {  	[dreg:$0x4] =	wrdreg $0xC0  }
0xba: {  	_ =	task [dreg:s22], $0x5FFFF  }
0xbb: {  	[dreg:$0x1] =	wrdreg $0xFFFFFFFF  }
0xbc: {  	[dreg:$0x0] =	wrdreg $0x60  }
0xbd: {  	[dreg:$0x2] =	wrdreg s18  }
0xbe: {  	[dreg:$0x3] =	wrdreg s24  }
0xbf: {  	[dreg:$0x4] =	wrdreg $0xA  }
0xc0: {  	_ =	task.clear_ibuf [dreg:s22], $0x5FFFF;
	_ =	strace $0x90000049  }
0xc1: {  	s29 =	simm.s32 $0xA;
	_ =	strace $0x8000004B  }
0xc2: {  	_ =	swait.ge [sflag:s29], $0x1  }
0xc3: {  	[sflag:s29] =	ssyncadd.s32 $0xFFFFFFFF  }
0xc4: {  	_ =	strace $0x9000004B  }
0xc5: {  	_ =	sfence  }
0xc6: {  	s30 =	sld [smem:$0x0];
	_ =	sdelay $0x2  }
0xc7: {  	s31 =	sshll.u32 s1, $0xD;
	s1 =	sshrl.u32 s1, $0x2  }
0xc8: {  	s4 =	sand.u32 $0x4000, s31;
	s1 =	sadd.s32 s1, s30  }
0xc9: {  	s0 =	sor.u32 s4, s0;
	s1 =	sshll.u32 s1, $0x11  }
0xca: {  	s0 =	sor.u32 s1, s0  }
0xcb: {  	s0 =	sadd.s32 $0x8F2B, s0  }
0xcc: {  	[sflag:s0] =	ssyncadd.remote.s32 $0x1  }
0xcd: {  	_ =	sfence.sel $0xFFFF  }
0xce: {  	[dreg:$0x0] =	wrdreg $0xFFFFFFFF;
	(pc) =	sbr.abs _section_cstart, $3  }
0xcf: {  	[dreg:$0x1] =	wrdreg $0xFFFFFFFF  }
0xd0: {  	_ =	task.clear_ibuf [dreg:s22], $0x2FFFF;
	_ =	strace $0x9FFFFFFF  }
0xd1: {  	(tm) =	ssettm $0x7FFFFFFF  }
tec
execute0_lowered:
.L_overlay_start_1:
0x0: {  	(tag) =	ssettag $0x1  }
0x1: {  	s1 =	rddreg [dreg:$0x0]  }
0x2: {  	s0 =	rddreg [dreg:$0x1];
	s2 =	srdreg.scid  }
0x3: {  	s3 =	simm.s32 $0x0;
	s4 =	stileid.u32;
	s10 =	simm.s32 $0x880  }
0x4: {  	s11 =	simm.s32 $0x1080;
	s12 =	simm.s32 $0x1880;
	s13 =	simm.s32 $0x2080  }
0x5: {  	s14 =	simm.s32 $0x2880;
	s15 =	simm.s32 $0x3080;
	s16 =	simm.s32 $0x3880  }
0x6: {  	s17 =	simm.s32 $0x4080;
	s18 =	simm.s32 $0x4880;
	s19 =	simm.s32 $0x5080  }
0x7: {  	s20 =	simm.s32 $0x5880;
	s21 =	simm.s32 $0x6080;
	s22 =	simm.s32 $0x6880  }
0x8: {  	s23 =	simm.s32 $0x7080;
	s24 =	simm.s32 $0x7880;
	s28 =	simm.s32 $0x9080  }
0x9: {  	s29 =	simm.s32 $0x9880;
	s30 =	simm.s32 $0xA080;
	s31 =	simm.s32 $0xA880  }
0xa: {  	s2 =	sand.u32 $0x1, s2;
	[smem:$0x7FF] =	sst s3;
	s4 =	sshll.u32 s4, $0x5  }
0xb: {  	s25 =	sadd.s32 $0x2800, s0;
	s0 =	sadd.s32 $0x2E00, s0;
	s5 =	sshll.u32 s2, $0x4  }
0xc: {  	_ =	strace $0x8000004A;
	s2 =	ssub.s32 $0x2, s2;
	s4 =	sor.u32 s5, s4  }
0xd: {  	s8 =	sshrl.u32 s2, $0x1;
	s5 =	sadd.s32 $0x200, s1;
	s6 =	smul.u32 $0x300, s4  }
0xe: {  	s7 =	sadd.s32 s25, s4;
	s4 =	sor.u32 $0x8, s4;
	s2 =	ssub.s32 s2, s8  }
0xf: {  	[dreg:$0x3] =	wrdreg s7;
	s26 =	smul.u32 $0x300, s4;
	s4 =	sadd.s32 s25, s4  }
0x10: {  	s7 =	simm.s32 $0x2;
	s6 =	sadd.s32 s0, s6;
	[dreg:$0x5] =	wrdreg s4  }
0x11: {  	v2 =	vlaneseq.u32;
	s25 =	simm.s32 $0x8080;
	s4 =	sadd.s32 $0x100, s1;
	[dreg:$0x4] =	wrdreg s6  }
0x12: {  	vm0 =	vmmov $0xffff;
	v1 =	vshrl.u32 v2, $0x3;
	s0 =	sadd.s32 s0, s26;
	s6 =	smax.u32 s2, $0x1;
	s2 =	simm.s32 $0x1  }
0x13: {  	v0 =	vand.u32 $0x7, v2;
	v2 =	vor.u32 $0x8, v2;
	v1 =	vmul.u32 $0x8, v1;
	s26 =	simm.s32 $0x8880;
	[dreg:$0x6] =	wrdreg s0;
	s0 =	simm.s32 $0x80  }
.LBB2_1:
0x14: {  	s9 =	rddreg [dreg:$0x3]  }
0x15: {  	[tilespmem:s3], [sflag:$0x2] =	stream.linear.gather [hbm4b:s9+s3], $0x40, $0x38;
	[tilespmem:$0xC080] =	vst v63  }
0x16: {  	_ =	swait.ge [sflag:s7], $0x40  }
0x17: {  	[sflag:s7] =	ssyncset.done $0x0  }
0x18: {  	[sflag:s7] =	ssyncadd.s32 $0xFFFFFFC0  }
0x19: {  	v3 =	vld [tilespmem:$0x0];
	_ =	sdelay $0x4  }
0x1a: {  	v4 =	vshrl.u32 v3, $0x3  }
0x1b: {  	v4 =	vmul.u32 $0x30, v4  }
0x1c: {  	v3 =	vand.u32 $0x7, v3  }
0x1d: {  	v3 =	vor.u32 v3, v4  }
0x1e: {  	v4 =	vperm.xlane v3, v0;
	_ =	sdelay $0x1  }
0x1f: {  	v4 =	vadd.s32 v1, v4;
	_ =	sdelay $0x3  }
0x20: {  	v3 =	vperm.xlane v3, v2  }
0x21: {  	[tilespmem:s0], [sflag:$0x1] =	stream.indirect_vreg.gather [hbm4b:s1+s3], $0x80, v4, vm0, $0xb8;
	[tilespmem:$0xC080] =	vst v63  }
0x22: {  	v3 =	vadd.s32 v1, v3  }
0x23: {  	[tilespmem:s10], [sflag:$0x1] =	stream.indirect_vreg.gather [hbm4b:s4+s3], $0x80, v4, vm0, $0xb8;
	[tilespmem:$0xC080] =	vst v63  }
0x24: {  	_ = 	snop  }
0x25: {  	[tilespmem:s11], [sflag:$0x1] =	stream.indirect_vreg.gather [hbm4b:s5+s3], $0x80, v4, vm0, $0xb8;
	[tilespmem:$0xC080] =	vst v63  }
0x26: {  	_ = 	snop  }
0x27: {  	[tilespmem:s12], [sflag:$0x1] =	stream.indirect_vreg.gather [hbm4b:s1+s3], $0x80, v3, vm0, $0xb8;
	[tilespmem:$0xC080] =	vst v63  }
0x28: {  	_ = 	snop  }
0x29: {  	[tilespmem:s13], [sflag:$0x1] =	stream.indirect_vreg.gather [hbm4b:s4+s3], $0x80, v3, vm0, $0xb8;
	[tilespmem:$0xC080] =	vst v63  }
0x2a: {  	_ = 	snop  }
0x2b: {  	[tilespmem:s14], [sflag:$0x1] =	stream.indirect_vreg.gather [hbm4b:s5+s3], $0x80, v3, vm0, $0xb8;
	[tilespmem:$0xC080] =	vst v63  }
0x2c: {  	v3 =	vld [tilespmem:$0x10];
	_ =	sdelay $0x4  }
0x2d: {  	v57 =	vshrl.u32 v3, $0x3  }
0x2e: {  	v4 =	vmul.u32 $0x30, v57  }
0x2f: {  	v3 =	vand.u32 $0x7, v3  }
0x30: {  	v3 =	vor.u32 v3, v4  }
0x31: {  	v4 =	vperm.xlane v3, v0;
	_ =	sdelay $0x1  }
0x32: {  	v4 =	vadd.s32 v1, v4;
	_ =	sdelay $0x3  }
0x33: {  	v3 =	vperm.xlane v3, v2  }
0x34: {  	[tilespmem:s15], [sflag:$0x1] =	stream.indirect_vreg.gather [hbm4b:s1+s3], $0x80, v4, vm0, $0xb8;
	[tilespmem:$0xC080] =	vst v63  }
0x35: {  	v3 =	vadd.s32 v1, v3  }
0x36: {  	[tilespmem:s16], [sflag:$0x1] =	stream.indirect_vreg.gather [hbm4b:s4+s3], $0x80, v4, vm0, $0xb8;
	[tilespmem:$0xC080] =	vst v63  }
0x37: {  	_ = 	snop  }
0x38: {  	[tilespmem:s17], [sflag:$0x1] =	stream.indirect_vreg.gather [hbm4b:s5+s3], $0x80, v4, vm0, $0xb8;
	[tilespmem:$0xC080] =	vst v63  }
0x39: {  	_ = 	snop  }
0x3a: {  	[tilespmem:s18], [sflag:$0x1] =	stream.indirect_vreg.gather [hbm4b:s1+s3], $0x80, v3, vm0, $0xb8;
	[tilespmem:$0xC080] =	vst v63  }
0x3b: {  	_ = 	snop  }
0x3c: {  	[tilespmem:s19], [sflag:$0x1] =	stream.indirect_vreg.gather [hbm4b:s4+s3], $0x80, v3, vm0, $0xb8;
	[tilespmem:$0xC080] =	vst v63  }
0x3d: {  	_ = 	snop  }
0x3e: {  	[tilespmem:s20], [sflag:$0x1] =	stream.indirect_vreg.gather [hbm4b:s5+s3], $0x80, v3, vm0, $0xb8;
	[tilespmem:$0xC080] =	vst v63  }
0x3f: {  	v3 =	vld [tilespmem:$0x20];
	_ =	sdelay $0x4  }
0x40: {  	v58 =	vshrl.u32 v3, $0x3  }
0x41: {  	v4 =	vmul.u32 $0x30, v58  }
0x42: {  	v3 =	vand.u32 $0x7, v3  }
0x43: {  	v3 =	vor.u32 v3, v4  }
0x44: {  	v4 =	vperm.xlane v3, v0;
	_ =	sdelay $0x1  }
0x45: {  	v4 =	vadd.s32 v1, v4;
	_ =	sdelay $0x3  }
0x46: {  	v3 =	vperm.xlane v3, v2  }
0x47: {  	[tilespmem:s21], [sflag:$0x1] =	stream.indirect_vreg.gather [hbm4b:s1+s3], $0x80, v4, vm0, $0xb8;
	[tilespmem:$0xC080] =	vst v63  }
0x48: {  	v3 =	vadd.s32 v1, v3  }
0x49: {  	[tilespmem:s22], [sflag:$0x1] =	stream.indirect_vreg.gather [hbm4b:s4+s3], $0x80, v4, vm0, $0xb8;
	[tilespmem:$0xC080] =	vst v63  }
0x4a: {  	_ = 	snop  }
0x4b: {  	[tilespmem:s23], [sflag:$0x1] =	stream.indirect_vreg.gather [hbm4b:s5+s3], $0x80, v4, vm0, $0xb8;
	[tilespmem:$0xC080] =	vst v63  }
0x4c: {  	_ = 	snop  }
0x4d: {  	[tilespmem:s24], [sflag:$0x1] =	stream.indirect_vreg.gather [hbm4b:s1+s3], $0x80, v3, vm0, $0xb8;
	[tilespmem:$0xC080] =	vst v63  }
0x4e: {  	_ = 	snop  }
0x4f: {  	[tilespmem:s25], [sflag:$0x1] =	stream.indirect_vreg.gather [hbm4b:s4+s3], $0x80, v3, vm0, $0xb8;
	[tilespmem:$0xC080] =	vst v63  }
0x50: {  	_ = 	snop  }
0x51: {  	[tilespmem:s26], [sflag:$0x1] =	stream.indirect_vreg.gather [hbm4b:s5+s3], $0x80, v3, vm0, $0xb8;
	[tilespmem:$0xC080] =	vst v63  }
0x52: {  	v3 =	vld [tilespmem:$0x30];
	_ =	sdelay $0x4  }
0x53: {  	v59 =	vshrl.u32 v3, $0x3  }
0x54: {  	v4 =	vmul.u32 $0x30, v59  }
0x55: {  	v3 =	vand.u32 $0x7, v3  }
0x56: {  	v3 =	vor.u32 v3, v4  }
0x57: {  	v4 =	vperm.xlane v3, v0;
	_ =	sdelay $0x1  }
0x58: {  	v4 =	vadd.s32 v1, v4;
	_ =	sdelay $0x3  }
0x59: {  	v3 =	vperm.xlane v3, v2  }
0x5a: {  	[tilespmem:s28], [sflag:$0x1] =	stream.indirect_vreg.gather [hbm4b:s1+s3], $0x80, v4, vm0, $0xb8;
	[tilespmem:$0xC080] =	vst v63  }
0x5b: {  	v3 =	vadd.s32 v1, v3  }
0x5c: {  	[tilespmem:s29], [sflag:$0x1] =	stream.indirect_vreg.gather [hbm4b:s4+s3], $0x80, v4, vm0, $0xb8;
	[tilespmem:$0xC080] =	vst v63  }
0x5d: {  	_ = 	snop  }
0x5e: {  	[tilespmem:s30], [sflag:$0x1] =	stream.indirect_vreg.gather [hbm4b:s5+s3], $0x80, v4, vm0, $0xb8;
	[tilespmem:$0xC080] =	vst v63  }
0x5f: {  	_ = 	snop  }
0x60: {  	[tilespmem:s31], [sflag:$0x1] =	stream.indirect_vreg.gather [hbm4b:s1+s3], $0x80, v3, vm0, $0xb8;
	[tilespmem:$0xC080] =	vst v63  }
0x61: {  	s8 =	simm.s32 $0xB080  }
0x62: {  	[tilespmem:s8], [sflag:$0x1] =	stream.indirect_vreg.gather [hbm4b:s4+s3], $0x80, v3, vm0, $0xb8;
	[tilespmem:$0xC080] =	vst v63  }
0x63: {  	s8 =	simm.s32 $0xB880  }
0x64: {  	[tilespmem:s8], [sflag:$0x1] =	stream.indirect_vreg.gather [hbm4b:s5+s3], $0x80, v3, vm0, $0xb8;
	[tilespmem:$0xC080] =	vst v63  }
0x65: {  	_ =	swait.ge [sflag:s2], $0xC000  }
0x66: {  	[sflag:s2] =	ssyncset.done $0x0  }
0x67: {  	s9 =	rddreg [dreg:$0x4];
	[sflag:s2] =	ssyncadd.s32 $0xFFFF4000  }
0x68: {  	[hbm4b:s9+s3] =	stream.linear.scatter [tilespmem:s0], [sflag:$0x2], $0xC000, $0x38;
	[tilespmem:$0xC080] =	vst v63  }
0x69: {  	_ =	swait.ge [sflag:s7], $0xC000  }
0x6a: {  	[sflag:s7] =	ssyncset.done $0x0  }
0x6b: {  	s9 =	rddreg [dreg:$0x5];
	[sflag:s7] =	ssyncadd.s32 $0xFFFF4000  }
0x6c: {  	[tilespmem:s3], [sflag:$0x2] =	stream.linear.gather [hbm4b:s9+s3], $0x40, $0x38;
	[tilespmem:$0xC080] =	vst v63  }
0x6d: {  	_ =	swait.ge [sflag:s7], $0x40  }
0x6e: {  	[sflag:s7] =	ssyncset.done $0x0  }
0x6f: {  	[sflag:s7] =	ssyncadd.s32 $0xFFFFFFC0  }
0x70: {  	v3 =	vld [tilespmem:$0x0];
	_ =	sdelay $0x4  }
0x71: {  	v60 =	vshrl.u32 v3, $0x3  }
0x72: {  	v4 =	vmul.u32 $0x30, v60  }
0x73: {  	v3 =	vand.u32 $0x7, v3  }
0x74: {  	v3 =	vor.u32 v3, v4  }
0x75: {  	v4 =	vperm.xlane v3, v0;
	_ =	sdelay $0x1  }
0x76: {  	v4 =	vadd.s32 v1, v4;
	_ =	sdelay $0x3  }
0x77: {  	v3 =	vperm.xlane v3, v2  }
0x78: {  	[tilespmem:s0], [sflag:$0x1] =	stream.indirect_vreg.gather [hbm4b:s1+s3], $0x80, v4, vm0, $0xb8;
	[tilespmem:$0xC080] =	vst v63  }
0x79: {  	v3 =	vadd.s32 v1, v3  }
0x7a: {  	[tilespmem:s10], [sflag:$0x1] =	stream.indirect_vreg.gather [hbm4b:s4+s3], $0x80, v4, vm0, $0xb8;
	[tilespmem:$0xC080] =	vst v63  }
0x7b: {  	_ = 	snop  }
0x7c: {  	[tilespmem:s11], [sflag:$0x1] =	stream.indirect_vreg.gather [hbm4b:s5+s3], $0x80, v4, vm0, $0xb8;
	[tilespmem:$0xC080] =	vst v63  }
0x7d: {  	_ = 	snop  }
0x7e: {  	[tilespmem:s12], [sflag:$0x1] =	stream.indirect_vreg.gather [hbm4b:s1+s3], $0x80, v3, vm0, $0xb8;
	[tilespmem:$0xC080] =	vst v63  }
0x7f: {  	_ = 	snop  }
0x80: {  	[tilespmem:s13], [sflag:$0x1] =	stream.indirect_vreg.gather [hbm4b:s4+s3], $0x80, v3, vm0, $0xb8;
	[tilespmem:$0xC080] =	vst v63  }
0x81: {  	_ = 	snop  }
0x82: {  	[tilespmem:s14], [sflag:$0x1] =	stream.indirect_vreg.gather [hbm4b:s5+s3], $0x80, v3, vm0, $0xb8;
	[tilespmem:$0xC080] =	vst v63  }
0x83: {  	v3 =	vld [tilespmem:$0x10];
	_ =	sdelay $0x4  }
0x84: {  	v61 =	vshrl.u32 v3, $0x3  }
0x85: {  	v4 =	vmul.u32 $0x30, v61  }
0x86: {  	v3 =	vand.u32 $0x7, v3  }
0x87: {  	v3 =	vor.u32 v3, v4  }
0x88: {  	v4 =	vperm.xlane v3, v0;
	_ =	sdelay $0x1  }
0x89: {  	v4 =	vadd.s32 v1, v4;
	_ =	sdelay $0x3  }
0x8a: {  	v3 =	vperm.xlane v3, v2  }
0x8b: {  	[tilespmem:s15], [sflag:$0x1] =	stream.indirect_vreg.gather [hbm4b:s1+s3], $0x80, v4, vm0, $0xb8;
	[tilespmem:$0xC080] =	vst v63  }
0x8c: {  	v3 =	vadd.s32 v1, v3  }
0x8d: {  	[tilespmem:s16], [sflag:$0x1] =	stream.indirect_vreg.gather [hbm4b:s4+s3], $0x80, v4, vm0, $0xb8;
	[tilespmem:$0xC080] =	vst v63  }
0x8e: {  	_ = 	snop  }
0x8f: {  	[tilespmem:s17], [sflag:$0x1] =	stream.indirect_vreg.gather [hbm4b:s5+s3], $0x80, v4, vm0, $0xb8;
	[tilespmem:$0xC080] =	vst v63  }
0x90: {  	_ = 	snop  }
0x91: {  	[tilespmem:s18], [sflag:$0x1] =	stream.indirect_vreg.gather [hbm4b:s1+s3], $0x80, v3, vm0, $0xb8;
	[tilespmem:$0xC080] =	vst v63  }
0x92: {  	_ = 	snop  }
0x93: {  	[tilespmem:s19], [sflag:$0x1] =	stream.indirect_vreg.gather [hbm4b:s4+s3], $0x80, v3, vm0, $0xb8;
	[tilespmem:$0xC080] =	vst v63  }
0x94: {  	_ = 	snop  }
0x95: {  	[tilespmem:s20], [sflag:$0x1] =	stream.indirect_vreg.gather [hbm4b:s5+s3], $0x80, v3, vm0, $0xb8;
	[tilespmem:$0xC080] =	vst v63  }
0x96: {  	v3 =	vld [tilespmem:$0x20];
	_ =	sdelay $0x4  }
0x97: {  	v62 =	vshrl.u32 v3, $0x3  }
0x98: {  	v4 =	vmul.u32 $0x30, v62  }
0x99: {  	v3 =	vand.u32 $0x7, v3  }
0x9a: {  	v3 =	vor.u32 v3, v4  }
0x9b: {  	v4 =	vperm.xlane v3, v0;
	_ =	sdelay $0x1  }
0x9c: {  	v4 =	vadd.s32 v1, v4;
	_ =	sdelay $0x3  }
0x9d: {  	v3 =	vperm.xlane v3, v2  }
0x9e: {  	[tilespmem:s21], [sflag:$0x1] =	stream.indirect_vreg.gather [hbm4b:s1+s3], $0x80, v4, vm0, $0xb8;
	[tilespmem:$0xC080] =	vst v63  }
0x9f: {  	v3 =	vadd.s32 v1, v3  }
0xa0: {  	[tilespmem:s22], [sflag:$0x1] =	stream.indirect_vreg.gather [hbm4b:s4+s3], $0x80, v4, vm0, $0xb8;
	[tilespmem:$0xC080] =	vst v63  }
0xa1: {  	_ = 	snop  }
0xa2: {  	[tilespmem:s23], [sflag:$0x1] =	stream.indirect_vreg.gather [hbm4b:s5+s3], $0x80, v4, vm0, $0xb8;
	[tilespmem:$0xC080] =	vst v63  }
0xa3: {  	_ = 	snop  }
0xa4: {  	[tilespmem:s24], [sflag:$0x1] =	stream.indirect_vreg.gather [hbm4b:s1+s3], $0x80, v3, vm0, $0xb8;
	[tilespmem:$0xC080] =	vst v63  }
0xa5: {  	_ = 	snop  }
0xa6: {  	[tilespmem:s25], [sflag:$0x1] =	stream.indirect_vreg.gather [hbm4b:s4+s3], $0x80, v3, vm0, $0xb8;
	[tilespmem:$0xC080] =	vst v63  }
0xa7: {  	_ = 	snop  }
0xa8: {  	[tilespmem:s26], [sflag:$0x1] =	stream.indirect_vreg.gather [hbm4b:s5+s3], $0x80, v3, vm0, $0xb8;
	[tilespmem:$0xC080] =	vst v63  }
0xa9: {  	v3 =	vld [tilespmem:$0x30];
	_ =	sdelay $0x4  }
0xaa: {  	v63 =	vshrl.u32 v3, $0x3  }
0xab: {  	v4 =	vmul.u32 $0x30, v63  }
0xac: {  	v3 =	vand.u32 $0x7, v3  }
0xad: {  	v3 =	vor.u32 v3, v4  }
0xae: {  	v4 =	vperm.xlane v3, v0;
	_ =	sdelay $0x1  }
0xaf: {  	v4 =	vadd.s32 v1, v4;
	_ =	sdelay $0x3  }
0xb0: {  	v3 =	vperm.xlane v3, v2  }
0xb1: {  	[tilespmem:s28], [sflag:$0x1] =	stream.indirect_vreg.gather [hbm4b:s1+s3], $0x80, v4, vm0, $0xb8;
	[tilespmem:$0xC080] =	vst v63  }
0xb2: {  	v3 =	vadd.s32 v1, v3  }
0xb3: {  	[tilespmem:s29], [sflag:$0x1] =	stream.indirect_vreg.gather [hbm4b:s4+s3], $0x80, v4, vm0, $0xb8;
	[tilespmem:$0xC080] =	vst v63  }
0xb4: {  	_ = 	snop  }
0xb5: {  	[tilespmem:s30], [sflag:$0x1] =	stream.indirect_vreg.gather [hbm4b:s5+s3], $0x80, v4, vm0, $0xb8;
	[tilespmem:$0xC080] =	vst v63  }
0xb6: {  	_ = 	snop  }
0xb7: {  	[tilespmem:s31], [sflag:$0x1] =	stream.indirect_vreg.gather [hbm4b:s1+s3], $0x80, v3, vm0, $0xb8;
	[tilespmem:$0xC080] =	vst v63  }
0xb8: {  	s9 =	simm.s32 $0xB080  }
0xb9: {  	[tilespmem:s9], [sflag:$0x1] =	stream.indirect_vreg.gather [hbm4b:s4+s3], $0x80, v3, vm0, $0xb8;
	[tilespmem:$0xC080] =	vst v63  }
0xba: {  	_ = 	snop  }
0xbb: {  	[tilespmem:s8], [sflag:$0x1] =	stream.indirect_vreg.gather [hbm4b:s5+s3], $0x80, v3, vm0, $0xb8;
	[tilespmem:$0xC080] =	vst v63  }
0xbc: {  	_ =	swait.ge [sflag:s2], $0xC000  }
0xbd: {  	p0 =	sne.s32 s6, $0x1;
	[sflag:s2] =	ssyncset.done $0x0  }
.Ltmp0:
0xbe: {  	s8 =	rddreg [dreg:$0x6];
	[sflag:s2] =	ssyncadd.s32 $0xFFFF4000;
	(pc) =	sbr.rel @p0 .LBB2_1-.Ltmp0, $4  }
0xbf: {  	[hbm4b:s8+s3] =	stream.linear.scatter [tilespmem:s0], [sflag:$0x2], $0xC000, $0x38;
	[tilespmem:$0xC080] =	vst v63  }
0xc0: {  	_ =	swait.ge [sflag:s7], $0xC000  }
0xc1: {  	[sflag:s7] =	ssyncset.done $0x0  }
0xc2: {  	s6 =	sadd.s32 $0xFFFFFFFF, s6;
	[sflag:s7] =	ssyncadd.s32 $0xFFFF4000  }
0xc3: {  	_ =	sfence.sel $0x180000  }
0xc4: {  	[bflag:$0x0] =	sbarrier.arrive $0xFFFF  }
0xc5: {  	_ =	strace $0x9000004A  }
0xc6: {  	s0 =	stileid.u32;
	[bflag:$0x2] =	sbarrier.arrive $0xFFFF  }
0xc7: {  	p0 =	sne.s32 s0, $0x0;
	s0 =	rddreg [dreg:$0x2]  }
0xc8: {  	s0 =	sadd.s32 @!p0 $0x100000, s0  }
0xc9: {  	[sflag:s0] =	ssyncadd.tile.s32 @!p0 $0x1;
	_ =	shalt  }
.Lfunc_end2:
_tile_overlayer_lowered:
.L_overlay_start_2:
0xca: {  	(tag) =	ssettag $0x2  }
0xcb: {  	s0 =	rddreg [dreg:$0x0];
	s2 =	stileid.u32  }
0xcc: {  	s1 =	rddreg [dreg:$0x1];
	p0 =	sne.s32 s2, $0x0  }
0xcd: {  	s3 =	rddreg [dreg:$0x2];
	[bflag:$0x3] =	sbarrier.arrive $0xFFFF;
	s2 =	simm.s32 @!p0 $0x1C02  }
0xce: {  	[timem:s3], [sflag:s2] =	dma.local @!p0 [hbm:s0], s1  }
0xcf: {  	s0 =	simm.s32 @!p0 $0x2  }
0xd0: {  	_ =	swait.ge @!p0 [sflag:s0], s1  }
0xd1: {  	s1 =	ssub.s32 @!p0 $0x0, s1;
	[sflag:s0] =	ssyncset.done @!p0 $0x0  }
0xd2: {  	[sflag:s0] =	ssyncadd.s32 @!p0 s1  }
0xd3: {  	[bflag:$0x3] =	sbarrier.arrive $0xFFFF  }
0xd4: {  	_ =	shalt  }

// kernel: kernel.16.cloned.1.call-start
scs
__scs_entry_jumppad:
0x0: {  	(pc) =	sbr.rel $0x88, $3  }
0x1: {  	(tag) =	ssettag $0x0;
	lr =	simm.s32 $0x1  }
0x2: {  	[smem:$0x3F9A] =	sst lr;
	_ =	strace $0xD0000000  }
0x3: {  	_ = 	snop  }
0x4: {  	_ = 	snop  }
0x5: {  	_ = 	snop  }
0x6: {  	_ = 	snop  }
0x7: {  	_ = 	snop  }
__scs_overlays_trampoline_lowered:
0x8: {  	[smem:$0x3FA9] =	sst s0  }
0x9: {  	[smem:$0x3FAA] =	sst s1  }
0xa: {  	[smem:$0x3FAB] =	sst s2  }
0xb: {  	[smem:$0x3FAC] =	sst s3  }
0xc: {  	[smem:$0x3FAD] =	sst s4  }
0xd: {  	[smem:$0x3FAE] =	sst s5  }
0xe: {  	[smem:$0x3FAF] =	sst s6  }
0xf: {  	[smem:$0x3FB0] =	sst s7  }
0x10: {  	[smem:$0x3FB1] =	sst s8  }
0x11: {  	[smem:$0x3FB2] =	sst s9;
	s0 =	simm.s32 @!p0 $0x0  }
0x12: {  	s1 =	sld [smem:$0x3F98];
	s0 =	simm.s32 @p0 $0x1  }
0x13: {  	[smem:$0x3FB3] =	sst s0;
	s0 =	simm.s32 @!p1 $0x0  }
0x14: {  	s2 =	sld [smem:$0x3F97];
	s0 =	simm.s32 @p1 $0x1  }
0x15: {  	[smem:$0x3FB4] =	sst s0;
	s0 =	simm.s32 @!p2 $0x0  }
0x16: {  	s3 =	sld [smem:$0x3FDB];
	s0 =	simm.s32 @p2 $0x1  }
0x17: {  	s4 =	simm.s32 $0x1BF5;
	[smem:$0x3FB6] =	sst s0  }
0x18: {  	s0 =	sld [smem:$0x3F99];
	_ =	swait.ge [sflag:s4], $0x0  }
0x19: {  	s7 =	sld [smem:$0x3F9A]  }
0x1a: {  	s8 =	sadd.s32 $0xFFFFE003, lr  }
0x1b: {  	s9 =	sadd.s32 $0xFFFFFEF7, lr;
	s5 =	simm.s32 $0xFFFFFFFF;
	p2 =	slt.u32 s8, $0xFFFFF086  }
0x1c: {  	p1 =	slt.u32 s9, $0xF7A;
	s5 =	simm.s32 @!p2 $0x0  }
0x1d: {  	s5 =	simm.s32 @p1 $0x1;
	p0 =	seq.s32 s7, s2  }
0x1e: {  	s7 =	smul.u32 @!p0 $0xF7A, s2;
	p2 =	seq.s32 @!p0 s5, $0x0  }
0x1f: {  	s9 =	smul.u32 $0xF7A, s1;
	s8 =	simm.s32 @!p0 $0x1BF5;
	p2 =	por !p2, p0  }
0x20: {  	[sflag:s8] =	ssyncset.s32 @!p0 $0xFFFFF086;
	s6 =	sadd.s32 @!p0 s3, s7;
	s7 =	simm.s32 @!p0 $0x108  }
0x21: {  	s3 =	sadd.s32 s3, s9;
	s6 =	sadd.s32 @!p0 $0x88, s6;
	s7 =	simm.s32 @p2 $0x1082  }
0x22: {  	[simem:s7], [sflag:s8] =	dma.local @!p0 [hbm:s6], $0xF7A  }
0x23: {  	s9 =	sor.u32 $0xD0000000, s2;
	s6 =	simm.s32 $0x108;
	_ =	swait.ge @!p0 [sflag:s8], $0x0  }
0x24: {  	s3 =	sadd.s32 $0x88, s3;
	s6 =	simm.s32 @!p1 $0x1082;
	[sflag:s4] =	ssyncset.s32 $0xFFFFF086  }
0x25: {  	[simem:s6], [sflag:s4] =	dma.local [hbm:s3], $0xF7A  }
0x26: {  	[smem:$0x3F9A] =	sst s1;
	(tag) =	ssettag s2;
	_ =	strace s9  }
0x27: {  	s1 =	sld [smem:$0x3FAA]  }
0x28: {  	s2 =	sld [smem:$0x3FAB]  }
0x29: {  	s4 =	sld [smem:$0x3FAD]  }
0x2a: {  	p0 =	seq.s32 s5, $0x0;
	s5 =	sld [smem:$0x3FAE]  }
0x2b: {  	s6 =	sld [smem:$0x3FAF]  }
0x2c: {  	s7 =	sld [smem:$0x3FB0]  }
0x2d: {  	s3 =	simm.s32 $0x108;
	s8 =	sld [smem:$0x3FB1]  }
0x2e: {  	s3 =	simm.s32 @!p0 $0x1082;
	s9 =	sld [smem:$0x3FB2]  }
0x2f: {  	lr =	sadd.s32 s0, s3;
	s0 =	sld [smem:$0x3FA9]  }
0x30: {  	s3 =	sld [smem:$0x3FAC]  }
0x31: {  	[smem:$0x3FB5] =	sst s10  }
0x32: {  	s10 =	sld [smem:$0x3FB3];
	_ =	sdelay $0x3  }
0x33: {  	p0 =	seq.s32 s10, $0x1;
	s10 =	sld [smem:$0x3FB5];
	_ =	sdelay $0x3  }
0x34: {  	[smem:$0x3FB5] =	sst s10  }
0x35: {  	s10 =	sld [smem:$0x3FB4];
	_ =	sdelay $0x3  }
0x36: {  	p1 =	seq.s32 s10, $0x1;
	s10 =	sld [smem:$0x3FB5];
	_ =	sdelay $0x3  }
0x37: {  	[smem:$0x3FB5] =	sst s10  }
0x38: {  	s10 =	sld [smem:$0x3FB6]  }
0x39: {  	_ = 	snop;
	(pc) =	sbr.ind lr, $3  }
0x3a: {  	_ = 	snop  }
0x3b: {  	_ = 	snop  }
0x3c: {  	p2 =	seq.s32 s10, $0x1;
	s10 =	sld [smem:$0x3FB5]  }
0x3d: {  	_ =	shalt  }
0x3e: {  	_ =	shalt  }
0x3f: {  	_ =	shalt  }
0x40: {  	_ =	shalt  }
0x41: {  	_ =	shalt  }
0x42: {  	_ =	shalt  }
0x43: {  	_ =	shalt  }
0x44: {  	_ =	shalt  }
0x45: {  	_ =	shalt  }
0x46: {  	_ =	shalt  }
0x47: {  	_ =	shalt  }
0x48: {  	_ =	shalt  }
0x49: {  	_ =	shalt  }
0x4a: {  	_ =	shalt  }
0x4b: {  	_ =	shalt  }
0x4c: {  	_ =	shalt  }
0x4d: {  	_ =	shalt  }
0x4e: {  	_ =	shalt  }
0x4f: {  	_ =	shalt  }
0x50: {  	_ =	shalt  }
0x51: {  	_ =	shalt  }
0x52: {  	_ =	shalt  }
0x53: {  	_ =	shalt  }
0x54: {  	_ =	shalt  }
0x55: {  	_ =	shalt  }
0x56: {  	_ =	shalt  }
0x57: {  	_ =	shalt  }
0x58: {  	_ =	shalt  }
0x59: {  	_ =	shalt  }
0x5a: {  	_ =	shalt  }
0x5b: {  	_ =	shalt  }
0x5c: {  	_ =	shalt  }
0x5d: {  	_ =	shalt  }
0x5e: {  	_ =	shalt  }
0x5f: {  	_ =	shalt  }
0x60: {  	_ =	shalt  }
0x61: {  	_ =	shalt  }
0x62: {  	_ =	shalt  }
0x63: {  	_ =	shalt  }
0x64: {  	_ =	shalt  }
0x65: {  	_ =	shalt  }
0x66: {  	_ =	shalt  }
0x67: {  	_ =	shalt  }
0x68: {  	_ =	shalt  }
0x69: {  	_ =	shalt  }
0x6a: {  	_ =	shalt  }
0x6b: {  	_ =	shalt  }
0x6c: {  	_ =	shalt  }
0x6d: {  	_ =	shalt  }
0x6e: {  	_ =	shalt  }
0x6f: {  	_ =	shalt  }
0x70: {  	_ =	shalt  }
0x71: {  	_ =	shalt  }
0x72: {  	_ =	shalt  }
0x73: {  	_ =	shalt  }
0x74: {  	_ =	shalt  }
0x75: {  	_ =	shalt  }
0x76: {  	_ =	shalt  }
0x77: {  	_ =	shalt  }
0x78: {  	_ =	shalt  }
0x79: {  	_ =	shalt  }
0x7a: {  	_ =	shalt  }
0x7b: {  	_ =	shalt  }
0x7c: {  	_ =	shalt  }
0x7d: {  	_ =	shalt  }
0x7e: {  	_ =	shalt  }
0x7f: {  	_ =	shalt  }
0x80: {  	_ =	shalt  }
0x81: {  	_ =	shalt  }
0x82: {  	_ =	shalt  }
0x83: {  	_ =	shalt  }
0x84: {  	_ =	shalt  }
0x85: {  	_ =	shalt  }
0x86: {  	_ =	shalt  }
0x87: {  	_ =	shalt  }
.Lfunc_end0:
.L_simem_size_0:
called_computation.2_lowered:
.L_overlay_start_0:
0x88: {  	s2 =	sld [smem:$0x3FD9]  }
0x89: {  	s3 =	sld [smem:$0x3FFE];
	_ =	sdelay $0x1  }
0x8a: {  	s1 =	srdreg.scid  }
0x8b: {  	s0 =	sand.u32 $0x1, s1  }
0x8c: {  	s17 =	sshll.u32 s0, $0xA;
	s2 =	sadd.s32 s3, s2  }
0x8d: {  	s2 =	sadd.s32 s2, s17  }
0x8e: {  	[smem:$0x3FC1] =	sst s2  }
0x8f: {  	_ = 	snop  }
0x90: {  	s18 =	sld [smem:$0x3FC7];
	(tm) =	ssettm $0x1  }
0x91: {  	s19 =	sld [smem:$0x3FFB];
	_ =	sdelay $0x3  }
0x92: {  	_ =	strace s19  }
0x93: {  	s2 =	sld [smem:$0x3FFC];
	_ =	sdelay $0x3  }
0x94: {  	_ =	strace s2  }
0x95: {  	s2 =	sld [smem:$0x3FFD];
	_ =	sdelay $0x3  }
0x96: {  	_ =	strace s2  }
0x97: {  	_ =	strace $0x8FFFFFFF  }
0x98: {  	s20 =	sld [smem:$0x3FDB];
	_ =	sdelay $0x1  }
0x99: {  	s4 =	simm.s32 $_scs_section_size  }
0x9a: {  	s5 =	simm.s32 $_size__tile_overlayer_lowered;
	s6 =	simm.s32 $_tile_overlayer_lowered  }
0x9b: {  	s7 =	simm.s32 $0x1BFF;
	s21 =	sshll.u32 s6, $0x1;
	s4 =	sadd.s32 s4, s20  }
0x9c: {  	s22 =	simm.s32 $0x0;
	s5 =	sshll.u32 s5, $0x1;
	s6 =	sadd.s32 s21, s4  }
0x9d: {  	[timem:s22], [sflag:s7] =	dma.local [hbm:s6], s5  }
0x9e: {  	_ =	swait.ge [sflag:s7], s5  }
0x9f: {  	s5 =	ssub.s32 $0x0, s5;
	[sflag:s7] =	ssyncset.done $0x0  }
0xa0: {  	[sflag:s7] =	ssyncadd.s32 s5;
	_ =	sdelay $0x1  }
0xa1: {  	s23 =	simm.s32 $0x1B8B  }
0xa2: {  	_ =	swait.ge [sflag:s23], $0x1  }
0xa3: {  	[sflag:s23] =	ssyncset.done $0x0  }
0xa4: {  	[sflag:s23] =	ssyncadd.s32 $0xFFFFFFFF  }
0xa5: {  	s5 =	sld [smem:$0x0]  }
0xa6: {  	s6 =	sand.u32 $0xFFFFFFFE, s1  }
0xa7: {  	p0 =	sne.s32 s1, s6  }
0xa8: {  	s6 =	sshll.u32 @p0 s6, $0xE  }
0xa9: {  	s6 =	sadd.s32 @p0 $0x11B8D, s6;
	s7 =	sshll.u32 @p0 s5, $0x11  }
0xaa: {  	s6 =	sor.u32 @p0 s7, s6  }
0xab: {  	[sflag:s6] =	ssyncadd.remote.s32 @p0 $0x1;
	_ =	sdelay $0x1  }
0xac: {  	s6 =	simm.s32 @p0 $0x1B8D  }
0xad: {  	_ =	swait.eq @p0 [sflag:s6], $0x1  }
0xae: {  	[sflag:s6] =	ssyncadd.s32 @p0 $0xFFFFFFFF  }
0xaf: {  	s7 =	sshll.u32 @!p0 s1, $0xE  }
0xb0: {  	s7 =	sor.u32 @!p0 $0x4000, s7;
	s6 =	simm.s32 @!p0 $0x1B8D  }
0xb1: {  	s5 =	sshll.u32 @!p0 s5, $0x11;
	s7 =	sadd.s32 @!p0 $0x11B8D, s7;
	_ =	swait.eq @!p0 [sflag:s6], $0x1  }
0xb2: {  	s5 =	sor.u32 @!p0 s5, s7;
	[sflag:s6] =	ssyncadd.s32 @!p0 $0xFFFFFFFF  }
0xb3: {  	s25 =	simm.s32 $0x1B8E;
	s24 =	sld [smem:$0x3FFE];
	[sflag:s5] =	ssyncadd.remote.s32 @!p0 $0x1  }
0xb4: {  	s26 =	simm.s32 $execute0_lowered;
	[smem:$0x3FD2] =	sst s25  }
0xb5: {  	s6 =	sshll.u32 s26, $0x1;
	_ =	strace $0x8000004C;
	[dreg:$0x1] =	wrdreg $0xFFFFFFFF  }
0xb6: {  	s28 =	simm.s32 $_size_execute0_lowered;
	s4 =	sadd.s32 s4, s6;
	[dreg:$0x0] =	wrdreg $0x0  }
0xb7: {  	s6 =	sshll.u32 s28, $0x1;
	[dreg:$0x2] =	wrdreg s4  }
0xb8: {  	[dreg:$0x3] =	wrdreg s6  }
0xb9: {  	[dreg:$0x4] =	wrdreg $0xC0  }
0xba: {  	_ =	task [dreg:s22], $0x5FFFF  }
0xbb: {  	[dreg:$0x1] =	wrdreg $0xFFFFFFFF  }
0xbc: {  	[dreg:$0x0] =	wrdreg $0x60  }
0xbd: {  	[dreg:$0x2] =	wrdreg s18  }
0xbe: {  	[dreg:$0x3] =	wrdreg s24  }
0xbf: {  	[dreg:$0x4] =	wrdreg $0xB  }
0xc0: {  	_ =	task.clear_ibuf [dreg:s22], $0x5FFFF;
	_ =	strace $0x9000004C  }
0xc1: {  	s29 =	simm.s32 $0xB;
	_ =	strace $0x8000004E  }
0xc2: {  	_ =	swait.ge [sflag:s29], $0x1  }
0xc3: {  	[sflag:s29] =	ssyncadd.s32 $0xFFFFFFFF  }
0xc4: {  	_ =	strace $0x9000004E  }
0xc5: {  	_ =	sfence  }
0xc6: {  	s30 =	sld [smem:$0x0];
	_ =	sdelay $0x2  }
0xc7: {  	s31 =	sshll.u32 s1, $0xD;
	s1 =	sshrl.u32 s1, $0x2  }
0xc8: {  	s4 =	sand.u32 $0x4000, s31;
	s1 =	sadd.s32 s1, s30  }
0xc9: {  	s0 =	sor.u32 s4, s0;
	s1 =	sshll.u32 s1, $0x11  }
0xca: {  	s0 =	sor.u32 s1, s0  }
0xcb: {  	s0 =	sadd.s32 $0x8F2B, s0  }
0xcc: {  	[sflag:s0] =	ssyncadd.remote.s32 $0x1  }
0xcd: {  	_ =	sfence.sel $0xFFFF  }
0xce: {  	[dreg:$0x0] =	wrdreg $0xFFFFFFFF;
	(pc) =	sbr.abs _section_cstart, $3  }
0xcf: {  	[dreg:$0x1] =	wrdreg $0xFFFFFFFF  }
0xd0: {  	_ =	task.clear_ibuf [dreg:s22], $0x2FFFF;
	_ =	strace $0x9FFFFFFF  }
0xd1: {  	(tm) =	ssettm $0x7FFFFFFF  }
tec
execute0_lowered:
.L_overlay_start_1:
0x0: {  	(tag) =	ssettag $0x1  }
0x1: {  	s1 =	rddreg [dreg:$0x0]  }
0x2: {  	s0 =	rddreg [dreg:$0x1];
	s2 =	srdreg.scid  }
0x3: {  	s3 =	simm.s32 $0x0;
	s4 =	stileid.u32;
	s10 =	simm.s32 $0x880  }
0x4: {  	s11 =	simm.s32 $0x1080;
	s12 =	simm.s32 $0x1880;
	s13 =	simm.s32 $0x2080  }
0x5: {  	s14 =	simm.s32 $0x2880;
	s15 =	simm.s32 $0x3080;
	s16 =	simm.s32 $0x3880  }
0x6: {  	s17 =	simm.s32 $0x4080;
	s18 =	simm.s32 $0x4880;
	s19 =	simm.s32 $0x5080  }
0x7: {  	s20 =	simm.s32 $0x5880;
	s21 =	simm.s32 $0x6080;
	s22 =	simm.s32 $0x6880  }
0x8: {  	s23 =	simm.s32 $0x7080;
	s24 =	simm.s32 $0x7880;
	s28 =	simm.s32 $0x9080  }
0x9: {  	s29 =	simm.s32 $0x9880;
	s30 =	simm.s32 $0xA080;
	s31 =	simm.s32 $0xA880  }
0xa: {  	s2 =	sand.u32 $0x1, s2;
	[smem:$0x7FF] =	sst s3;
	s4 =	sshll.u32 s4, $0x5  }
0xb: {  	s25 =	sadd.s32 $0x2A00, s0;
	s0 =	sadd.s32 $0x62E00, s0;
	s5 =	sshll.u32 s2, $0x4  }
0xc: {  	_ =	strace $0x8000004D;
	s2 =	ssub.s32 $0x2, s2;
	s4 =	sor.u32 s5, s4  }
0xd: {  	s8 =	sshrl.u32 s2, $0x1;
	s5 =	sadd.s32 $0x200, s1;
	s6 =	smul.u32 $0x300, s4  }
0xe: {  	s7 =	sadd.s32 s25, s4;
	s4 =	sor.u32 $0x8, s4;
	s2 =	ssub.s32 s2, s8  }
0xf: {  	[dreg:$0x3] =	wrdreg s7;
	s26 =	smul.u32 $0x300, s4;
	s4 =	sadd.s32 s25, s4  }
0x10: {  	s7 =	simm.s32 $0x2;
	s6 =	sadd.s32 s0, s6;
	[dreg:$0x5] =	wrdreg s4  }
0x11: {  	v2 =	vlaneseq.u32;
	s25 =	simm.s32 $0x8080;
	s4 =	sadd.s32 $0x100, s1;
	[dreg:$0x4] =	wrdreg s6  }
0x12: {  	vm0 =	vmmov $0xffff;
	v1 =	vshrl.u32 v2, $0x3;
	s0 =	sadd.s32 s0, s26;
	s6 =	smax.u32 s2, $0x1;
	s2 =	simm.s32 $0x1  }
0x13: {  	v0 =	vand.u32 $0x7, v2;
	v2 =	vor.u32 $0x8, v2;
	v1 =	vmul.u32 $0x8, v1;
	s26 =	simm.s32 $0x8880;
	[dreg:$0x6] =	wrdreg s0;
	s0 =	simm.s32 $0x80  }
.LBB2_1:
0x14: {  	s9 =	rddreg [dreg:$0x3]  }
0x15: {  	[tilespmem:s3], [sflag:$0x2] =	stream.linear.gather [hbm4b:s9+s3], $0x40, $0x38;
	[tilespmem:$0xC080] =	vst v63  }
0x16: {  	_ =	swait.ge [sflag:s7], $0x40  }
0x17: {  	[sflag:s7] =	ssyncset.done $0x0  }
0x18: {  	[sflag:s7] =	ssyncadd.s32 $0xFFFFFFC0  }
0x19: {  	v3 =	vld [tilespmem:$0x0];
	_ =	sdelay $0x4  }
0x1a: {  	v4 =	vshrl.u32 v3, $0x3  }
0x1b: {  	v4 =	vmul.u32 $0x30, v4  }
0x1c: {  	v3 =	vand.u32 $0x7, v3  }
0x1d: {  	v3 =	vor.u32 v3, v4  }
0x1e: {  	v4 =	vperm.xlane v3, v0;
	_ =	sdelay $0x1  }
0x1f: {  	v4 =	vadd.s32 v1, v4;
	_ =	sdelay $0x3  }
0x20: {  	v3 =	vperm.xlane v3, v2  }
0x21: {  	[tilespmem:s0], [sflag:$0x1] =	stream.indirect_vreg.gather [hbm4b:s1+s3], $0x80, v4, vm0, $0xb8;
	[tilespmem:$0xC080] =	vst v63  }
0x22: {  	v3 =	vadd.s32 v1, v3  }
0x23: {  	[tilespmem:s10], [sflag:$0x1] =	stream.indirect_vreg.gather [hbm4b:s4+s3], $0x80, v4, vm0, $0xb8;
	[tilespmem:$0xC080] =	vst v63  }
0x24: {  	_ = 	snop  }
0x25: {  	[tilespmem:s11], [sflag:$0x1] =	stream.indirect_vreg.gather [hbm4b:s5+s3], $0x80, v4, vm0, $0xb8;
	[tilespmem:$0xC080] =	vst v63  }
0x26: {  	_ = 	snop  }
0x27: {  	[tilespmem:s12], [sflag:$0x1] =	stream.indirect_vreg.gather [hbm4b:s1+s3], $0x80, v3, vm0, $0xb8;
	[tilespmem:$0xC080] =	vst v63  }
0x28: {  	_ = 	snop  }
0x29: {  	[tilespmem:s13], [sflag:$0x1] =	stream.indirect_vreg.gather [hbm4b:s4+s3], $0x80, v3, vm0, $0xb8;
	[tilespmem:$0xC080] =	vst v63  }
0x2a: {  	_ = 	snop  }
0x2b: {  	[tilespmem:s14], [sflag:$0x1] =	stream.indirect_vreg.gather [hbm4b:s5+s3], $0x80, v3, vm0, $0xb8;
	[tilespmem:$0xC080] =	vst v63  }
0x2c: {  	v3 =	vld [tilespmem:$0x10];
	_ =	sdelay $0x4  }
0x2d: {  	v57 =	vshrl.u32 v3, $0x3  }
0x2e: {  	v4 =	vmul.u32 $0x30, v57  }
0x2f: {  	v3 =	vand.u32 $0x7, v3  }
0x30: {  	v3 =	vor.u32 v3, v4  }
0x31: {  	v4 =	vperm.xlane v3, v0;
	_ =	sdelay $0x1  }
0x32: {  	v4 =	vadd.s32 v1, v4;
	_ =	sdelay $0x3  }
0x33: {  	v3 =	vperm.xlane v3, v2  }
0x34: {  	[tilespmem:s15], [sflag:$0x1] =	stream.indirect_vreg.gather [hbm4b:s1+s3], $0x80, v4, vm0, $0xb8;
	[tilespmem:$0xC080] =	vst v63  }
0x35: {  	v3 =	vadd.s32 v1, v3  }
0x36: {  	[tilespmem:s16], [sflag:$0x1] =	stream.indirect_vreg.gather [hbm4b:s4+s3], $0x80, v4, vm0, $0xb8;
	[tilespmem:$0xC080] =	vst v63  }
0x37: {  	_ = 	snop  }
0x38: {  	[tilespmem:s17], [sflag:$0x1] =	stream.indirect_vreg.gather [hbm4b:s5+s3], $0x80, v4, vm0, $0xb8;
	[tilespmem:$0xC080] =	vst v63  }
0x39: {  	_ = 	snop  }
0x3a: {  	[tilespmem:s18], [sflag:$0x1] =	stream.indirect_vreg.gather [hbm4b:s1+s3], $0x80, v3, vm0, $0xb8;
	[tilespmem:$0xC080] =	vst v63  }
0x3b: {  	_ = 	snop  }
0x3c: {  	[tilespmem:s19], [sflag:$0x1] =	stream.indirect_vreg.gather [hbm4b:s4+s3], $0x80, v3, vm0, $0xb8;
	[tilespmem:$0xC080] =	vst v63  }
0x3d: {  	_ = 	snop  }
0x3e: {  	[tilespmem:s20], [sflag:$0x1] =	stream.indirect_vreg.gather [hbm4b:s5+s3], $0x80, v3, vm0, $0xb8;
	[tilespmem:$0xC080] =	vst v63  }
0x3f: {  	v3 =	vld [tilespmem:$0x20];
	_ =	sdelay $0x4  }
0x40: {  	v58 =	vshrl.u32 v3, $0x3  }
0x41: {  	v4 =	vmul.u32 $0x30, v58  }
0x42: {  	v3 =	vand.u32 $0x7, v3  }
0x43: {  	v3 =	vor.u32 v3, v4  }
0x44: {  	v4 =	vperm.xlane v3, v0;
	_ =	sdelay $0x1  }
0x45: {  	v4 =	vadd.s32 v1, v4;
	_ =	sdelay $0x3  }
0x46: {  	v3 =	vperm.xlane v3, v2  }
0x47: {  	[tilespmem:s21], [sflag:$0x1] =	stream.indirect_vreg.gather [hbm4b:s1+s3], $0x80, v4, vm0, $0xb8;
	[tilespmem:$0xC080] =	vst v63  }
0x48: {  	v3 =	vadd.s32 v1, v3  }
0x49: {  	[tilespmem:s22], [sflag:$0x1] =	stream.indirect_vreg.gather [hbm4b:s4+s3], $0x80, v4, vm0, $0xb8;
	[tilespmem:$0xC080] =	vst v63  }
0x4a: {  	_ = 	snop  }
0x4b: {  	[tilespmem:s23], [sflag:$0x1] =	stream.indirect_vreg.gather [hbm4b:s5+s3], $0x80, v4, vm0, $0xb8;
	[tilespmem:$0xC080] =	vst v63  }
0x4c: {  	_ = 	snop  }
0x4d: {  	[tilespmem:s24], [sflag:$0x1] =	stream.indirect_vreg.gather [hbm4b:s1+s3], $0x80, v3, vm0, $0xb8;
	[tilespmem:$0xC080] =	vst v63  }
0x4e: {  	_ = 	snop  }
0x4f: {  	[tilespmem:s25], [sflag:$0x1] =	stream.indirect_vreg.gather [hbm4b:s4+s3], $0x80, v3, vm0, $0xb8;
	[tilespmem:$0xC080] =	vst v63  }
0x50: {  	_ = 	snop  }
0x51: {  	[tilespmem:s26], [sflag:$0x1] =	stream.indirect_vreg.gather [hbm4b:s5+s3], $0x80, v3, vm0, $0xb8;
	[tilespmem:$0xC080] =	vst v63  }
0x52: {  	v3 =	vld [tilespmem:$0x30];
	_ =	sdelay $0x4  }
0x53: {  	v59 =	vshrl.u32 v3, $0x3  }
0x54: {  	v4 =	vmul.u32 $0x30, v59  }
0x55: {  	v3 =	vand.u32 $0x7, v3  }
0x56: {  	v3 =	vor.u32 v3, v4  }
0x57: {  	v4 =	vperm.xlane v3, v0;
	_ =	sdelay $0x1  }
0x58: {  	v4 =	vadd.s32 v1, v4;
	_ =	sdelay $0x3  }
0x59: {  	v3 =	vperm.xlane v3, v2  }
0x5a: {  	[tilespmem:s28], [sflag:$0x1] =	stream.indirect_vreg.gather [hbm4b:s1+s3], $0x80, v4, vm0, $0xb8;
	[tilespmem:$0xC080] =	vst v63  }
0x5b: {  	v3 =	vadd.s32 v1, v3  }
0x5c: {  	[tilespmem:s29], [sflag:$0x1] =	stream.indirect_vreg.gather [hbm4b:s4+s3], $0x80, v4, vm0, $0xb8;
	[tilespmem:$0xC080] =	vst v63  }
0x5d: {  	_ = 	snop  }
0x5e: {  	[tilespmem:s30], [sflag:$0x1] =	stream.indirect_vreg.gather [hbm4b:s5+s3], $0x80, v4, vm0, $0xb8;
	[tilespmem:$0xC080] =	vst v63  }
0x5f: {  	_ = 	snop  }
0x60: {  	[tilespmem:s31], [sflag:$0x1] =	stream.indirect_vreg.gather [hbm4b:s1+s3], $0x80, v3, vm0, $0xb8;
	[tilespmem:$0xC080] =	vst v63  }
0x61: {  	s8 =	simm.s32 $0xB080  }
0x62: {  	[tilespmem:s8], [sflag:$0x1] =	stream.indirect_vreg.gather [hbm4b:s4+s3], $0x80, v3, vm0, $0xb8;
	[tilespmem:$0xC080] =	vst v63  }
0x63: {  	s8 =	simm.s32 $0xB880  }
0x64: {  	[tilespmem:s8], [sflag:$0x1] =	stream.indirect_vreg.gather [hbm4b:s5+s3], $0x80, v3, vm0, $0xb8;
	[tilespmem:$0xC080] =	vst v63  }
0x65: {  	_ =	swait.ge [sflag:s2], $0xC000  }
0x66: {  	[sflag:s2] =	ssyncset.done $0x0  }
0x67: {  	s9 =	rddreg [dreg:$0x4];
	[sflag:s2] =	ssyncadd.s32 $0xFFFF4000  }
0x68: {  	[hbm4b:s9+s3] =	stream.linear.scatter [tilespmem:s0], [sflag:$0x2], $0xC000, $0x38;
	[tilespmem:$0xC080] =	vst v63  }
0x69: {  	_ =	swait.ge [sflag:s7], $0xC000  }
0x6a: {  	[sflag:s7] =	ssyncset.done $0x0  }
0x6b: {  	s9 =	rddreg [dreg:$0x5];
	[sflag:s7] =	ssyncadd.s32 $0xFFFF4000  }
0x6c: {  	[tilespmem:s3], [sflag:$0x2] =	stream.linear.gather [hbm4b:s9+s3], $0x40, $0x38;
	[tilespmem:$0xC080] =	vst v63  }
0x6d: {  	_ =	swait.ge [sflag:s7], $0x40  }
0x6e: {  	[sflag:s7] =	ssyncset.done $0x0  }
0x6f: {  	[sflag:s7] =	ssyncadd.s32 $0xFFFFFFC0  }
0x70: {  	v3 =	vld [tilespmem:$0x0];
	_ =	sdelay $0x4  }
0x71: {  	v60 =	vshrl.u32 v3, $0x3  }
0x72: {  	v4 =	vmul.u32 $0x30, v60  }
0x73: {  	v3 =	vand.u32 $0x7, v3  }
0x74: {  	v3 =	vor.u32 v3, v4  }
0x75: {  	v4 =	vperm.xlane v3, v0;
	_ =	sdelay $0x1  }
0x76: {  	v4 =	vadd.s32 v1, v4;
	_ =	sdelay $0x3  }
0x77: {  	v3 =	vperm.xlane v3, v2  }
0x78: {  	[tilespmem:s0], [sflag:$0x1] =	stream.indirect_vreg.gather [hbm4b:s1+s3], $0x80, v4, vm0, $0xb8;
	[tilespmem:$0xC080] =	vst v63  }
0x79: {  	v3 =	vadd.s32 v1, v3  }
0x7a: {  	[tilespmem:s10], [sflag:$0x1] =	stream.indirect_vreg.gather [hbm4b:s4+s3], $0x80, v4, vm0, $0xb8;
	[tilespmem:$0xC080] =	vst v63  }
0x7b: {  	_ = 	snop  }
0x7c: {  	[tilespmem:s11], [sflag:$0x1] =	stream.indirect_vreg.gather [hbm4b:s5+s3], $0x80, v4, vm0, $0xb8;
	[tilespmem:$0xC080] =	vst v63  }
0x7d: {  	_ = 	snop  }
0x7e: {  	[tilespmem:s12], [sflag:$0x1] =	stream.indirect_vreg.gather [hbm4b:s1+s3], $0x80, v3, vm0, $0xb8;
	[tilespmem:$0xC080] =	vst v63  }
0x7f: {  	_ = 	snop  }
0x80: {  	[tilespmem:s13], [sflag:$0x1] =	stream.indirect_vreg.gather [hbm4b:s4+s3], $0x80, v3, vm0, $0xb8;
	[tilespmem:$0xC080] =	vst v63  }
0x81: {  	_ = 	snop  }
0x82: {  	[tilespmem:s14], [sflag:$0x1] =	stream.indirect_vreg.gather [hbm4b:s5+s3], $0x80, v3, vm0, $0xb8;
	[tilespmem:$0xC080] =	vst v63  }
0x83: {  	v3 =	vld [tilespmem:$0x10];
	_ =	sdelay $0x4  }
0x84: {  	v61 =	vshrl.u32 v3, $0x3  }
0x85: {  	v4 =	vmul.u32 $0x30, v61  }
0x86: {  	v3 =	vand.u32 $0x7, v3  }
0x87: {  	v3 =	vor.u32 v3, v4  }
0x88: {  	v4 =	vperm.xlane v3, v0;
	_ =	sdelay $0x1  }
0x89: {  	v4 =	vadd.s32 v1, v4;
	_ =	sdelay $0x3  }
0x8a: {  	v3 =	vperm.xlane v3, v2  }
0x8b: {  	[tilespmem:s15], [sflag:$0x1] =	stream.indirect_vreg.gather [hbm4b:s1+s3], $0x80, v4, vm0, $0xb8;
	[tilespmem:$0xC080] =	vst v63  }
0x8c: {  	v3 =	vadd.s32 v1, v3  }
0x8d: {  	[tilespmem:s16], [sflag:$0x1] =	stream.indirect_vreg.gather [hbm4b:s4+s3], $0x80, v4, vm0, $0xb8;
	[tilespmem:$0xC080] =	vst v63  }
0x8e: {  	_ = 	snop  }
0x8f: {  	[tilespmem:s17], [sflag:$0x1] =	stream.indirect_vreg.gather [hbm4b:s5+s3], $0x80, v4, vm0, $0xb8;
	[tilespmem:$0xC080] =	vst v63  }
0x90: {  	_ = 	snop  }
0x91: {  	[tilespmem:s18], [sflag:$0x1] =	stream.indirect_vreg.gather [hbm4b:s1+s3], $0x80, v3, vm0, $0xb8;
	[tilespmem:$0xC080] =	vst v63  }
0x92: {  	_ = 	snop  }
0x93: {  	[tilespmem:s19], [sflag:$0x1] =	stream.indirect_vreg.gather [hbm4b:s4+s3], $0x80, v3, vm0, $0xb8;
	[tilespmem:$0xC080] =	vst v63  }
0x94: {  	_ = 	snop  }
0x95: {  	[tilespmem:s20], [sflag:$0x1] =	stream.indirect_vreg.gather [hbm4b:s5+s3], $0x80, v3, vm0, $0xb8;
	[tilespmem:$0xC080] =	vst v63  }
0x96: {  	v3 =	vld [tilespmem:$0x20];
	_ =	sdelay $0x4  }
0x97: {  	v62 =	vshrl.u32 v3, $0x3  }
0x98: {  	v4 =	vmul.u32 $0x30, v62  }
0x99: {  	v3 =	vand.u32 $0x7, v3  }
0x9a: {  	v3 =	vor.u32 v3, v4  }
0x9b: {  	v4 =	vperm.xlane v3, v0;
	_ =	sdelay $0x1  }
0x9c: {  	v4 =	vadd.s32 v1, v4;
	_ =	sdelay $0x3  }
0x9d: {  	v3 =	vperm.xlane v3, v2  }
0x9e: {  	[tilespmem:s21], [sflag:$0x1] =	stream.indirect_vreg.gather [hbm4b:s1+s3], $0x80, v4, vm0, $0xb8;
	[tilespmem:$0xC080] =	vst v63  }
0x9f: {  	v3 =	vadd.s32 v1, v3  }
0xa0: {  	[tilespmem:s22], [sflag:$0x1] =	stream.indirect_vreg.gather [hbm4b:s4+s3], $0x80, v4, vm0, $0xb8;
	[tilespmem:$0xC080] =	vst v63  }
0xa1: {  	_ = 	snop  }
0xa2: {  	[tilespmem:s23], [sflag:$0x1] =	stream.indirect_vreg.gather [hbm4b:s5+s3], $0x80, v4, vm0, $0xb8;
	[tilespmem:$0xC080] =	vst v63  }
0xa3: {  	_ = 	snop  }
0xa4: {  	[tilespmem:s24], [sflag:$0x1] =	stream.indirect_vreg.gather [hbm4b:s1+s3], $0x80, v3, vm0, $0xb8;
	[tilespmem:$0xC080] =	vst v63  }
0xa5: {  	_ = 	snop  }
0xa6: {  	[tilespmem:s25], [sflag:$0x1] =	stream.indirect_vreg.gather [hbm4b:s4+s3], $0x80, v3, vm0, $0xb8;
	[tilespmem:$0xC080] =	vst v63  }
0xa7: {  	_ = 	snop  }
0xa8: {  	[tilespmem:s26], [sflag:$0x1] =	stream.indirect_vreg.gather [hbm4b:s5+s3], $0x80, v3, vm0, $0xb8;
	[tilespmem:$0xC080] =	vst v63  }
0xa9: {  	v3 =	vld [tilespmem:$0x30];
	_ =	sdelay $0x4  }
0xaa: {  	v63 =	vshrl.u32 v3, $0x3  }
0xab: {  	v4 =	vmul.u32 $0x30, v63  }
0xac: {  	v3 =	vand.u32 $0x7, v3  }
0xad: {  	v3 =	vor.u32 v3, v4  }
0xae: {  	v4 =	vperm.xlane v3, v0;
	_ =	sdelay $0x1  }
0xaf: {  	v4 =	vadd.s32 v1, v4;
	_ =	sdelay $0x3  }
0xb0: {  	v3 =	vperm.xlane v3, v2  }
0xb1: {  	[tilespmem:s28], [sflag:$0x1] =	stream.indirect_vreg.gather [hbm4b:s1+s3], $0x80, v4, vm0, $0xb8;
	[tilespmem:$0xC080] =	vst v63  }
0xb2: {  	v3 =	vadd.s32 v1, v3  }
0xb3: {  	[tilespmem:s29], [sflag:$0x1] =	stream.indirect_vreg.gather [hbm4b:s4+s3], $0x80, v4, vm0, $0xb8;
	[tilespmem:$0xC080] =	vst v63  }
0xb4: {  	_ = 	snop  }
0xb5: {  	[tilespmem:s30], [sflag:$0x1] =	stream.indirect_vreg.gather [hbm4b:s5+s3], $0x80, v4, vm0, $0xb8;
	[tilespmem:$0xC080] =	vst v63  }
0xb6: {  	_ = 	snop  }
0xb7: {  	[tilespmem:s31], [sflag:$0x1] =	stream.indirect_vreg.gather [hbm4b:s1+s3], $0x80, v3, vm0, $0xb8;
	[tilespmem:$0xC080] =	vst v63  }
0xb8: {  	s9 =	simm.s32 $0xB080  }
0xb9: {  	[tilespmem:s9], [sflag:$0x1] =	stream.indirect_vreg.gather [hbm4b:s4+s3], $0x80, v3, vm0, $0xb8;
	[tilespmem:$0xC080] =	vst v63  }
0xba: {  	_ = 	snop  }
0xbb: {  	[tilespmem:s8], [sflag:$0x1] =	stream.indirect_vreg.gather [hbm4b:s5+s3], $0x80, v3, vm0, $0xb8;
	[tilespmem:$0xC080] =	vst v63  }
0xbc: {  	_ =	swait.ge [sflag:s2], $0xC000  }
0xbd: {  	p0 =	sne.s32 s6, $0x1;
	[sflag:s2] =	ssyncset.done $0x0  }
.Ltmp0:
0xbe: {  	s8 =	rddreg [dreg:$0x6];
	[sflag:s2] =	ssyncadd.s32 $0xFFFF4000;
	(pc) =	sbr.rel @p0 .LBB2_1-.Ltmp0, $4  }
0xbf: {  	[hbm4b:s8+s3] =	stream.linear.scatter [tilespmem:s0], [sflag:$0x2], $0xC000, $0x38;
	[tilespmem:$0xC080] =	vst v63  }
0xc0: {  	_ =	swait.ge [sflag:s7], $0xC000  }
0xc1: {  	[sflag:s7] =	ssyncset.done $0x0  }
0xc2: {  	s6 =	sadd.s32 $0xFFFFFFFF, s6;
	[sflag:s7] =	ssyncadd.s32 $0xFFFF4000  }
0xc3: {  	_ =	sfence.sel $0x180000  }
0xc4: {  	[bflag:$0x0] =	sbarrier.arrive $0xFFFF  }
0xc5: {  	_ =	strace $0x9000004D  }
0xc6: {  	s0 =	stileid.u32;
	[bflag:$0x2] =	sbarrier.arrive $0xFFFF  }
0xc7: {  	p0 =	sne.s32 s0, $0x0;
	s0 =	rddreg [dreg:$0x2]  }
0xc8: {  	s0 =	sadd.s32 @!p0 $0x100000, s0  }
0xc9: {  	[sflag:s0] =	ssyncadd.tile.s32 @!p0 $0x1;
	_ =	shalt  }
.Lfunc_end2:
_tile_overlayer_lowered:
.L_overlay_start_2:
0xca: {  	(tag) =	ssettag $0x2  }
0xcb: {  	s0 =	rddreg [dreg:$0x0];
	s2 =	stileid.u32  }
0xcc: {  	s1 =	rddreg [dreg:$0x1];
	p0 =	sne.s32 s2, $0x0  }
0xcd: {  	s3 =	rddreg [dreg:$0x2];
	[bflag:$0x3] =	sbarrier.arrive $0xFFFF;
	s2 =	simm.s32 @!p0 $0x1C02  }
0xce: {  	[timem:s3], [sflag:s2] =	dma.local @!p0 [hbm:s0], s1  }
0xcf: {  	s0 =	simm.s32 @!p0 $0x2  }
0xd0: {  	_ =	swait.ge @!p0 [sflag:s0], s1  }
0xd1: {  	s1 =	ssub.s32 @!p0 $0x0, s1;
	[sflag:s0] =	ssyncset.done @!p0 $0x0  }
0xd2: {  	[sflag:s0] =	ssyncadd.s32 @!p0 s1  }
0xd3: {  	[bflag:$0x3] =	sbarrier.arrive $0xFFFF  }
0xd4: {  	_ =	shalt  }

// kernel: kernel.19.cloned.1.call-start
scs
__scs_entry_jumppad:
0x0: {  	(pc) =	sbr.rel $0x88, $3  }
0x1: {  	(tag) =	ssettag $0x0;
	lr =	simm.s32 $0x1  }
0x2: {  	[smem:$0x3F9A] =	sst lr;
	_ =	strace $0xD0000000  }
0x3: {  	_ = 	snop  }
0x4: {  	_ = 	snop  }
0x5: {  	_ = 	snop  }
0x6: {  	_ = 	snop  }
0x7: {  	_ = 	snop  }
__scs_overlays_trampoline_lowered:
0x8: {  	[smem:$0x3FA9] =	sst s0  }
0x9: {  	[smem:$0x3FAA] =	sst s1  }
0xa: {  	[smem:$0x3FAB] =	sst s2  }
0xb: {  	[smem:$0x3FAC] =	sst s3  }
0xc: {  	[smem:$0x3FAD] =	sst s4  }
0xd: {  	[smem:$0x3FAE] =	sst s5  }
0xe: {  	[smem:$0x3FAF] =	sst s6  }
0xf: {  	[smem:$0x3FB0] =	sst s7  }
0x10: {  	[smem:$0x3FB1] =	sst s8  }
0x11: {  	[smem:$0x3FB2] =	sst s9;
	s0 =	simm.s32 @!p0 $0x0  }
0x12: {  	s1 =	sld [smem:$0x3F98];
	s0 =	simm.s32 @p0 $0x1  }
0x13: {  	[smem:$0x3FB3] =	sst s0;
	s0 =	simm.s32 @!p1 $0x0  }
0x14: {  	s2 =	sld [smem:$0x3F97];
	s0 =	simm.s32 @p1 $0x1  }
0x15: {  	[smem:$0x3FB4] =	sst s0;
	s0 =	simm.s32 @!p2 $0x0  }
0x16: {  	s3 =	sld [smem:$0x3FDB];
	s0 =	simm.s32 @p2 $0x1  }
0x17: {  	s4 =	simm.s32 $0x1BF5;
	[smem:$0x3FB6] =	sst s0  }
0x18: {  	s0 =	sld [smem:$0x3F99];
	_ =	swait.ge [sflag:s4], $0x0  }
0x19: {  	s7 =	sld [smem:$0x3F9A]  }
0x1a: {  	s8 =	sadd.s32 $0xFFFFE003, lr  }
0x1b: {  	s9 =	sadd.s32 $0xFFFFFEF7, lr;
	s5 =	simm.s32 $0xFFFFFFFF;
	p2 =	slt.u32 s8, $0xFFFFF086  }
0x1c: {  	p1 =	slt.u32 s9, $0xF7A;
	s5 =	simm.s32 @!p2 $0x0  }
0x1d: {  	s5 =	simm.s32 @p1 $0x1;
	p0 =	seq.s32 s7, s2  }
0x1e: {  	s7 =	smul.u32 @!p0 $0xF7A, s2;
	p2 =	seq.s32 @!p0 s5, $0x0  }
0x1f: {  	s9 =	smul.u32 $0xF7A, s1;
	s8 =	simm.s32 @!p0 $0x1BF5;
	p2 =	por !p2, p0  }
0x20: {  	[sflag:s8] =	ssyncset.s32 @!p0 $0xFFFFF086;
	s6 =	sadd.s32 @!p0 s3, s7;
	s7 =	simm.s32 @!p0 $0x108  }
0x21: {  	s3 =	sadd.s32 s3, s9;
	s6 =	sadd.s32 @!p0 $0x88, s6;
	s7 =	simm.s32 @p2 $0x1082  }
0x22: {  	[simem:s7], [sflag:s8] =	dma.local @!p0 [hbm:s6], $0xF7A  }
0x23: {  	s9 =	sor.u32 $0xD0000000, s2;
	s6 =	simm.s32 $0x108;
	_ =	swait.ge @!p0 [sflag:s8], $0x0  }
0x24: {  	s3 =	sadd.s32 $0x88, s3;
	s6 =	simm.s32 @!p1 $0x1082;
	[sflag:s4] =	ssyncset.s32 $0xFFFFF086  }
0x25: {  	[simem:s6], [sflag:s4] =	dma.local [hbm:s3], $0xF7A  }
0x26: {  	[smem:$0x3F9A] =	sst s1;
	(tag) =	ssettag s2;
	_ =	strace s9  }
0x27: {  	s1 =	sld [smem:$0x3FAA]  }
0x28: {  	s2 =	sld [smem:$0x3FAB]  }
0x29: {  	s4 =	sld [smem:$0x3FAD]  }
0x2a: {  	p0 =	seq.s32 s5, $0x0;
	s5 =	sld [smem:$0x3FAE]  }
0x2b: {  	s6 =	sld [smem:$0x3FAF]  }
0x2c: {  	s7 =	sld [smem:$0x3FB0]  }
0x2d: {  	s3 =	simm.s32 $0x108;
	s8 =	sld [smem:$0x3FB1]  }
0x2e: {  	s3 =	simm.s32 @!p0 $0x1082;
	s9 =	sld [smem:$0x3FB2]  }
0x2f: {  	lr =	sadd.s32 s0, s3;
	s0 =	sld [smem:$0x3FA9]  }
0x30: {  	s3 =	sld [smem:$0x3FAC]  }
0x31: {  	[smem:$0x3FB5] =	sst s10  }
0x32: {  	s10 =	sld [smem:$0x3FB3];
	_ =	sdelay $0x3  }
0x33: {  	p0 =	seq.s32 s10, $0x1;
	s10 =	sld [smem:$0x3FB5];
	_ =	sdelay $0x3  }
0x34: {  	[smem:$0x3FB5] =	sst s10  }
0x35: {  	s10 =	sld [smem:$0x3FB4];
	_ =	sdelay $0x3  }
0x36: {  	p1 =	seq.s32 s10, $0x1;
	s10 =	sld [smem:$0x3FB5];
	_ =	sdelay $0x3  }
0x37: {  	[smem:$0x3FB5] =	sst s10  }
0x38: {  	s10 =	sld [smem:$0x3FB6]  }
0x39: {  	_ = 	snop;
	(pc) =	sbr.ind lr, $3  }
0x3a: {  	_ = 	snop  }
0x3b: {  	_ = 	snop  }
0x3c: {  	p2 =	seq.s32 s10, $0x1;
	s10 =	sld [smem:$0x3FB5]  }
0x3d: {  	_ =	shalt  }
0x3e: {  	_ =	shalt  }
0x3f: {  	_ =	shalt  }
0x40: {  	_ =	shalt  }
0x41: {  	_ =	shalt  }
0x42: {  	_ =	shalt  }
0x43: {  	_ =	shalt  }
0x44: {  	_ =	shalt  }
0x45: {  	_ =	shalt  }
0x46: {  	_ =	shalt  }
0x47: {  	_ =	shalt  }
0x48: {  	_ =	shalt  }
0x49: {  	_ =	shalt  }
0x4a: {  	_ =	shalt  }
0x4b: {  	_ =	shalt  }
0x4c: {  	_ =	shalt  }
0x4d: {  	_ =	shalt  }
0x4e: {  	_ =	shalt  }
0x4f: {  	_ =	shalt  }
0x50: {  	_ =	shalt  }
0x51: {  	_ =	shalt  }
0x52: {  	_ =	shalt  }
0x53: {  	_ =	shalt  }
0x54: {  	_ =	shalt  }
0x55: {  	_ =	shalt  }
0x56: {  	_ =	shalt  }
0x57: {  	_ =	shalt  }
0x58: {  	_ =	shalt  }
0x59: {  	_ =	shalt  }
0x5a: {  	_ =	shalt  }
0x5b: {  	_ =	shalt  }
0x5c: {  	_ =	shalt  }
0x5d: {  	_ =	shalt  }
0x5e: {  	_ =	shalt  }
0x5f: {  	_ =	shalt  }
0x60: {  	_ =	shalt  }
0x61: {  	_ =	shalt  }
0x62: {  	_ =	shalt  }
0x63: {  	_ =	shalt  }
0x64: {  	_ =	shalt  }
0x65: {  	_ =	shalt  }
0x66: {  	_ =	shalt  }
0x67: {  	_ =	shalt  }
0x68: {  	_ =	shalt  }
0x69: {  	_ =	shalt  }
0x6a: {  	_ =	shalt  }
0x6b: {  	_ =	shalt  }
0x6c: {  	_ =	shalt  }
0x6d: {  	_ =	shalt  }
0x6e: {  	_ =	shalt  }
0x6f: {  	_ =	shalt  }
0x70: {  	_ =	shalt  }
0x71: {  	_ =	shalt  }
0x72: {  	_ =	shalt  }
0x73: {  	_ =	shalt  }
0x74: {  	_ =	shalt  }
0x75: {  	_ =	shalt  }
0x76: {  	_ =	shalt  }
0x77: {  	_ =	shalt  }
0x78: {  	_ =	shalt  }
0x79: {  	_ =	shalt  }
0x7a: {  	_ =	shalt  }
0x7b: {  	_ =	shalt  }
0x7c: {  	_ =	shalt  }
0x7d: {  	_ =	shalt  }
0x7e: {  	_ =	shalt  }
0x7f: {  	_ =	shalt  }
0x80: {  	_ =	shalt  }
0x81: {  	_ =	shalt  }
0x82: {  	_ =	shalt  }
0x83: {  	_ =	shalt  }
0x84: {  	_ =	shalt  }
0x85: {  	_ =	shalt  }
0x86: {  	_ =	shalt  }
0x87: {  	_ =	shalt  }
.Lfunc_end0:
.L_simem_size_0:
called_computation.3_lowered:
.L_overlay_start_0:
0x88: {  	s2 =	sld [smem:$0x3FD9]  }
0x89: {  	s3 =	sld [smem:$0x3FFE];
	_ =	sdelay $0x1  }
0x8a: {  	s1 =	srdreg.scid  }
0x8b: {  	s0 =	sand.u32 $0x1, s1  }
0x8c: {  	s17 =	sshll.u32 s0, $0xA;
	s2 =	sadd.s32 s3, s2  }
0x8d: {  	s2 =	sadd.s32 s2, s17  }
0x8e: {  	[smem:$0x3FC1] =	sst s2  }
0x8f: {  	_ = 	snop  }
0x90: {  	s18 =	sld [smem:$0x3FC7];
	(tm) =	ssettm $0x1  }
0x91: {  	s19 =	sld [smem:$0x3FFB];
	_ =	sdelay $0x3  }
0x92: {  	_ =	strace s19  }
0x93: {  	s2 =	sld [smem:$0x3FFC];
	_ =	sdelay $0x3  }
0x94: {  	_ =	strace s2  }
0x95: {  	s2 =	sld [smem:$0x3FFD];
	_ =	sdelay $0x3  }
0x96: {  	_ =	strace s2  }
0x97: {  	_ =	strace $0x8FFFFFFF  }
0x98: {  	s20 =	sld [smem:$0x3FDB];
	_ =	sdelay $0x1  }
0x99: {  	s4 =	simm.s32 $_scs_section_size  }
0x9a: {  	s5 =	simm.s32 $_size__tile_overlayer_lowered;
	s6 =	simm.s32 $_tile_overlayer_lowered  }
0x9b: {  	s7 =	simm.s32 $0x1BFF;
	s21 =	sshll.u32 s6, $0x1;
	s4 =	sadd.s32 s4, s20  }
0x9c: {  	s22 =	simm.s32 $0x0;
	s5 =	sshll.u32 s5, $0x1;
	s6 =	sadd.s32 s21, s4  }
0x9d: {  	[timem:s22], [sflag:s7] =	dma.local [hbm:s6], s5  }
0x9e: {  	_ =	swait.ge [sflag:s7], s5  }
0x9f: {  	s5 =	ssub.s32 $0x0, s5;
	[sflag:s7] =	ssyncset.done $0x0  }
0xa0: {  	[sflag:s7] =	ssyncadd.s32 s5;
	_ =	sdelay $0x1  }
0xa1: {  	s23 =	simm.s32 $0x1B8B  }
0xa2: {  	_ =	swait.ge [sflag:s23], $0x1  }
0xa3: {  	[sflag:s23] =	ssyncset.done $0x0  }
0xa4: {  	[sflag:s23] =	ssyncadd.s32 $0xFFFFFFFF  }
0xa5: {  	s5 =	sld [smem:$0x0]  }
0xa6: {  	s6 =	sand.u32 $0xFFFFFFFE, s1  }
0xa7: {  	p0 =	sne.s32 s1, s6  }
0xa8: {  	s6 =	sshll.u32 @p0 s6, $0xE  }
0xa9: {  	s6 =	sadd.s32 @p0 $0x11B8D, s6;
	s7 =	sshll.u32 @p0 s5, $0x11  }
0xaa: {  	s6 =	sor.u32 @p0 s7, s6  }
0xab: {  	[sflag:s6] =	ssyncadd.remote.s32 @p0 $0x1;
	_ =	sdelay $0x1  }
0xac: {  	s6 =	simm.s32 @p0 $0x1B8D  }
0xad: {  	_ =	swait.eq @p0 [sflag:s6], $0x1  }
0xae: {  	[sflag:s6] =	ssyncadd.s32 @p0 $0xFFFFFFFF  }
0xaf: {  	s7 =	sshll.u32 @!p0 s1, $0xE  }
0xb0: {  	s7 =	sor.u32 @!p0 $0x4000, s7;
	s6 =	simm.s32 @!p0 $0x1B8D  }
0xb1: {  	s5 =	sshll.u32 @!p0 s5, $0x11;
	s7 =	sadd.s32 @!p0 $0x11B8D, s7;
	_ =	swait.eq @!p0 [sflag:s6], $0x1  }
0xb2: {  	s5 =	sor.u32 @!p0 s5, s7;
	[sflag:s6] =	ssyncadd.s32 @!p0 $0xFFFFFFFF  }
0xb3: {  	s25 =	simm.s32 $0x1B8E;
	s24 =	sld [smem:$0x3FFE];
	[sflag:s5] =	ssyncadd.remote.s32 @!p0 $0x1  }
0xb4: {  	s26 =	simm.s32 $execute0_lowered;
	[smem:$0x3FD2] =	sst s25  }
0xb5: {  	s6 =	sshll.u32 s26, $0x1;
	_ =	strace $0x8000004F;
	[dreg:$0x1] =	wrdreg $0xFFFFFFFF  }
0xb6: {  	s28 =	simm.s32 $_size_execute0_lowered;
	s4 =	sadd.s32 s4, s6;
	[dreg:$0x0] =	wrdreg $0x0  }
0xb7: {  	s6 =	sshll.u32 s28, $0x1;
	[dreg:$0x2] =	wrdreg s4  }
0xb8: {  	[dreg:$0x3] =	wrdreg s6  }
0xb9: {  	[dreg:$0x4] =	wrdreg $0xC0  }
0xba: {  	_ =	task [dreg:s22], $0x5FFFF  }
0xbb: {  	[dreg:$0x1] =	wrdreg $0xFFFFFFFF  }
0xbc: {  	[dreg:$0x0] =	wrdreg $0x60  }
0xbd: {  	[dreg:$0x2] =	wrdreg s18  }
0xbe: {  	[dreg:$0x3] =	wrdreg s24  }
0xbf: {  	[dreg:$0x4] =	wrdreg $0xC  }
0xc0: {  	_ =	task.clear_ibuf [dreg:s22], $0x5FFFF;
	_ =	strace $0x9000004F  }
0xc1: {  	s29 =	simm.s32 $0xC;
	_ =	strace $0x80000051  }
0xc2: {  	_ =	swait.ge [sflag:s29], $0x1  }
0xc3: {  	[sflag:s29] =	ssyncadd.s32 $0xFFFFFFFF  }
0xc4: {  	_ =	strace $0x90000051  }
0xc5: {  	_ =	sfence  }
0xc6: {  	s30 =	sld [smem:$0x0];
	_ =	sdelay $0x2  }
0xc7: {  	s31 =	sshll.u32 s1, $0xD;
	s1 =	sshrl.u32 s1, $0x2  }
0xc8: {  	s4 =	sand.u32 $0x4000, s31;
	s1 =	sadd.s32 s1, s30  }
0xc9: {  	s0 =	sor.u32 s4, s0;
	s1 =	sshll.u32 s1, $0x11  }
0xca: {  	s0 =	sor.u32 s1, s0  }
0xcb: {  	s0 =	sadd.s32 $0x8F2B, s0  }
0xcc: {  	[sflag:s0] =	ssyncadd.remote.s32 $0x1  }
0xcd: {  	_ =	sfence.sel $0xFFFF  }
0xce: {  	[dreg:$0x0] =	wrdreg $0xFFFFFFFF;
	(pc) =	sbr.abs _section_cstart, $3  }
0xcf: {  	[dreg:$0x1] =	wrdreg $0xFFFFFFFF  }
0xd0: {  	_ =	task.clear_ibuf [dreg:s22], $0x2FFFF;
	_ =	strace $0x9FFFFFFF  }
0xd1: {  	(tm) =	ssettm $0x7FFFFFFF  }
tec
execute0_lowered:
.L_overlay_start_1:
0x0: {  	(tag) =	ssettag $0x1  }
0x1: {  	s1 =	rddreg [dreg:$0x0]  }
0x2: {  	s0 =	rddreg [dreg:$0x1];
	s2 =	srdreg.scid  }
0x3: {  	s3 =	simm.s32 $0x0;
	s4 =	stileid.u32;
	s10 =	simm.s32 $0x880  }
0x4: {  	s11 =	simm.s32 $0x1080;
	s12 =	simm.s32 $0x1880;
	s13 =	simm.s32 $0x2080  }
0x5: {  	s14 =	simm.s32 $0x2880;
	s15 =	simm.s32 $0x3080;
	s16 =	simm.s32 $0x3880  }
0x6: {  	s17 =	simm.s32 $0x4080;
	s18 =	simm.s32 $0x4880;
	s19 =	simm.s32 $0x5080  }
0x7: {  	s20 =	simm.s32 $0x5880;
	s21 =	simm.s32 $0x6080;
	s22 =	simm.s32 $0x6880  }
0x8: {  	s23 =	simm.s32 $0x7080;
	s24 =	simm.s32 $0x7880;
	s28 =	simm.s32 $0x9080  }
0x9: {  	s29 =	simm.s32 $0x9880;
	s30 =	simm.s32 $0xA080;
	s31 =	simm.s32 $0xA880  }
0xa: {  	s2 =	sand.u32 $0x1, s2;
	[smem:$0x7FF] =	sst s3;
	s4 =	sshll.u32 s4, $0x5  }
0xb: {  	s25 =	sadd.s32 $0x2C00, s0;
	s0 =	sadd.s32 $0xC2E00, s0;
	s5 =	sshll.u32 s2, $0x4  }
0xc: {  	_ =	strace $0x80000050;
	s2 =	ssub.s32 $0x2, s2;
	s4 =	sor.u32 s5, s4  }
0xd: {  	s8 =	sshrl.u32 s2, $0x1;
	s5 =	sadd.s32 $0x200, s1;
	s6 =	smul.u32 $0x300, s4  }
0xe: {  	s7 =	sadd.s32 s25, s4;
	s4 =	sor.u32 $0x8, s4;
	s2 =	ssub.s32 s2, s8  }
0xf: {  	[dreg:$0x3] =	wrdreg s7;
	s26 =	smul.u32 $0x300, s4;
	s4 =	sadd.s32 s25, s4  }
0x10: {  	s7 =	simm.s32 $0x2;
	s6 =	sadd.s32 s0, s6;
	[dreg:$0x5] =	wrdreg s4  }
0x11: {  	v2 =	vlaneseq.u32;
	s25 =	simm.s32 $0x8080;
	s4 =	sadd.s32 $0x100, s1;
	[dreg:$0x4] =	wrdreg s6  }
0x12: {  	vm0 =	vmmov $0xffff;
	v1 =	vshrl.u32 v2, $0x3;
	s0 =	sadd.s32 s0, s26;
	s6 =	smax.u32 s2, $0x1;
	s2 =	simm.s32 $0x1  }
0x13: {  	v0 =	vand.u32 $0x7, v2;
	v2 =	vor.u32 $0x8, v2;
	v1 =	vmul.u32 $0x8, v1;
	s26 =	simm.s32 $0x8880;
	[dreg:$0x6] =	wrdreg s0;
	s0 =	simm.s32 $0x80  }
.LBB2_1:
0x14: {  	s9 =	rddreg [dreg:$0x3]  }
0x15: {  	[tilespmem:s3], [sflag:$0x2] =	stream.linear.gather [hbm4b:s9+s3], $0x40, $0x38;
	[tilespmem:$0xC080] =	vst v63  }
0x16: {  	_ =	swait.ge [sflag:s7], $0x40  }
0x17: {  	[sflag:s7] =	ssyncset.done $0x0  }
0x18: {  	[sflag:s7] =	ssyncadd.s32 $0xFFFFFFC0  }
0x19: {  	v3 =	vld [tilespmem:$0x0];
	_ =	sdelay $0x4  }
0x1a: {  	v4 =	vshrl.u32 v3, $0x3  }
0x1b: {  	v4 =	vmul.u32 $0x30, v4  }
0x1c: {  	v3 =	vand.u32 $0x7, v3  }
0x1d: {  	v3 =	vor.u32 v3, v4  }
0x1e: {  	v4 =	vperm.xlane v3, v0;
	_ =	sdelay $0x1  }
0x1f: {  	v4 =	vadd.s32 v1, v4;
	_ =	sdelay $0x3  }
0x20: {  	v3 =	vperm.xlane v3, v2  }
0x21: {  	[tilespmem:s0], [sflag:$0x1] =	stream.indirect_vreg.gather [hbm4b:s1+s3], $0x80, v4, vm0, $0xb8;
	[tilespmem:$0xC080] =	vst v63  }
0x22: {  	v3 =	vadd.s32 v1, v3  }
0x23: {  	[tilespmem:s10], [sflag:$0x1] =	stream.indirect_vreg.gather [hbm4b:s4+s3], $0x80, v4, vm0, $0xb8;
	[tilespmem:$0xC080] =	vst v63  }
0x24: {  	_ = 	snop  }
0x25: {  	[tilespmem:s11], [sflag:$0x1] =	stream.indirect_vreg.gather [hbm4b:s5+s3], $0x80, v4, vm0, $0xb8;
	[tilespmem:$0xC080] =	vst v63  }
0x26: {  	_ = 	snop  }
0x27: {  	[tilespmem:s12], [sflag:$0x1] =	stream.indirect_vreg.gather [hbm4b:s1+s3], $0x80, v3, vm0, $0xb8;
	[tilespmem:$0xC080] =	vst v63  }
0x28: {  	_ = 	snop  }
0x29: {  	[tilespmem:s13], [sflag:$0x1] =	stream.indirect_vreg.gather [hbm4b:s4+s3], $0x80, v3, vm0, $0xb8;
	[tilespmem:$0xC080] =	vst v63  }
0x2a: {  	_ = 	snop  }
0x2b: {  	[tilespmem:s14], [sflag:$0x1] =	stream.indirect_vreg.gather [hbm4b:s5+s3], $0x80, v3, vm0, $0xb8;
	[tilespmem:$0xC080] =	vst v63  }
0x2c: {  	v3 =	vld [tilespmem:$0x10];
	_ =	sdelay $0x4  }
0x2d: {  	v57 =	vshrl.u32 v3, $0x3  }
0x2e: {  	v4 =	vmul.u32 $0x30, v57  }
0x2f: {  	v3 =	vand.u32 $0x7, v3  }
0x30: {  	v3 =	vor.u32 v3, v4  }
0x31: {  	v4 =	vperm.xlane v3, v0;
	_ =	sdelay $0x1  }
0x32: {  	v4 =	vadd.s32 v1, v4;
	_ =	sdelay $0x3  }
0x33: {  	v3 =	vperm.xlane v3, v2  }
0x34: {  	[tilespmem:s15], [sflag:$0x1] =	stream.indirect_vreg.gather [hbm4b:s1+s3], $0x80, v4, vm0, $0xb8;
	[tilespmem:$0xC080] =	vst v63  }
0x35: {  	v3 =	vadd.s32 v1, v3  }
0x36: {  	[tilespmem:s16], [sflag:$0x1] =	stream.indirect_vreg.gather [hbm4b:s4+s3], $0x80, v4, vm0, $0xb8;
	[tilespmem:$0xC080] =	vst v63  }
0x37: {  	_ = 	snop  }
0x38: {  	[tilespmem:s17], [sflag:$0x1] =	stream.indirect_vreg.gather [hbm4b:s5+s3], $0x80, v4, vm0, $0xb8;
	[tilespmem:$0xC080] =	vst v63  }
0x39: {  	_ = 	snop  }
0x3a: {  	[tilespmem:s18], [sflag:$0x1] =	stream.indirect_vreg.gather [hbm4b:s1+s3], $0x80, v3, vm0, $0xb8;
	[tilespmem:$0xC080] =	vst v63  }
0x3b: {  	_ = 	snop  }
0x3c: {  	[tilespmem:s19], [sflag:$0x1] =	stream.indirect_vreg.gather [hbm4b:s4+s3], $0x80, v3, vm0, $0xb8;
	[tilespmem:$0xC080] =	vst v63  }
0x3d: {  	_ = 	snop  }
0x3e: {  	[tilespmem:s20], [sflag:$0x1] =	stream.indirect_vreg.gather [hbm4b:s5+s3], $0x80, v3, vm0, $0xb8;
	[tilespmem:$0xC080] =	vst v63  }
0x3f: {  	v3 =	vld [tilespmem:$0x20];
	_ =	sdelay $0x4  }
0x40: {  	v58 =	vshrl.u32 v3, $0x3  }
0x41: {  	v4 =	vmul.u32 $0x30, v58  }
0x42: {  	v3 =	vand.u32 $0x7, v3  }
0x43: {  	v3 =	vor.u32 v3, v4  }
0x44: {  	v4 =	vperm.xlane v3, v0;
	_ =	sdelay $0x1  }
0x45: {  	v4 =	vadd.s32 v1, v4;
	_ =	sdelay $0x3  }
0x46: {  	v3 =	vperm.xlane v3, v2  }
0x47: {  	[tilespmem:s21], [sflag:$0x1] =	stream.indirect_vreg.gather [hbm4b:s1+s3], $0x80, v4, vm0, $0xb8;
	[tilespmem:$0xC080] =	vst v63  }
0x48: {  	v3 =	vadd.s32 v1, v3  }
0x49: {  	[tilespmem:s22], [sflag:$0x1] =	stream.indirect_vreg.gather [hbm4b:s4+s3], $0x80, v4, vm0, $0xb8;
	[tilespmem:$0xC080] =	vst v63  }
0x4a: {  	_ = 	snop  }
0x4b: {  	[tilespmem:s23], [sflag:$0x1] =	stream.indirect_vreg.gather [hbm4b:s5+s3], $0x80, v4, vm0, $0xb8;
	[tilespmem:$0xC080] =	vst v63  }
0x4c: {  	_ = 	snop  }
0x4d: {  	[tilespmem:s24], [sflag:$0x1] =	stream.indirect_vreg.gather [hbm4b:s1+s3], $0x80, v3, vm0, $0xb8;
	[tilespmem:$0xC080] =	vst v63  }
0x4e: {  	_ = 	snop  }
0x4f: {  	[tilespmem:s25], [sflag:$0x1] =	stream.indirect_vreg.gather [hbm4b:s4+s3], $0x80, v3, vm0, $0xb8;
	[tilespmem:$0xC080] =	vst v63  }
0x50: {  	_ = 	snop  }
0x51: {  	[tilespmem:s26], [sflag:$0x1] =	stream.indirect_vreg.gather [hbm4b:s5+s3], $0x80, v3, vm0, $0xb8;
	[tilespmem:$0xC080] =	vst v63  }
0x52: {  	v3 =	vld [tilespmem:$0x30];
	_ =	sdelay $0x4  }
0x53: {  	v59 =	vshrl.u32 v3, $0x3  }
0x54: {  	v4 =	vmul.u32 $0x30, v59  }
0x55: {  	v3 =	vand.u32 $0x7, v3  }
0x56: {  	v3 =	vor.u32 v3, v4  }
0x57: {  	v4 =	vperm.xlane v3, v0;
	_ =	sdelay $0x1  }
0x58: {  	v4 =	vadd.s32 v1, v4;
	_ =	sdelay $0x3  }
0x59: {  	v3 =	vperm.xlane v3, v2  }
0x5a: {  	[tilespmem:s28], [sflag:$0x1] =	stream.indirect_vreg.gather [hbm4b:s1+s3], $0x80, v4, vm0, $0xb8;
	[tilespmem:$0xC080] =	vst v63  }
0x5b: {  	v3 =	vadd.s32 v1, v3  }
0x5c: {  	[tilespmem:s29], [sflag:$0x1] =	stream.indirect_vreg.gather [hbm4b:s4+s3], $0x80, v4, vm0, $0xb8;
	[tilespmem:$0xC080] =	vst v63  }
0x5d: {  	_ = 	snop  }
0x5e: {  	[tilespmem:s30], [sflag:$0x1] =	stream.indirect_vreg.gather [hbm4b:s5+s3], $0x80, v4, vm0, $0xb8;
	[tilespmem:$0xC080] =	vst v63  }
0x5f: {  	_ = 	snop  }
0x60: {  	[tilespmem:s31], [sflag:$0x1] =	stream.indirect_vreg.gather [hbm4b:s1+s3], $0x80, v3, vm0, $0xb8;
	[tilespmem:$0xC080] =	vst v63  }
0x61: {  	s8 =	simm.s32 $0xB080  }
0x62: {  	[tilespmem:s8], [sflag:$0x1] =	stream.indirect_vreg.gather [hbm4b:s4+s3], $0x80, v3, vm0, $0xb8;
	[tilespmem:$0xC080] =	vst v63  }
0x63: {  	s8 =	simm.s32 $0xB880  }
0x64: {  	[tilespmem:s8], [sflag:$0x1] =	stream.indirect_vreg.gather [hbm4b:s5+s3], $0x80, v3, vm0, $0xb8;
	[tilespmem:$0xC080] =	vst v63  }
0x65: {  	_ =	swait.ge [sflag:s2], $0xC000  }
0x66: {  	[sflag:s2] =	ssyncset.done $0x0  }
0x67: {  	s9 =	rddreg [dreg:$0x4];
	[sflag:s2] =	ssyncadd.s32 $0xFFFF4000  }
0x68: {  	[hbm4b:s9+s3] =	stream.linear.scatter [tilespmem:s0], [sflag:$0x2], $0xC000, $0x38;
	[tilespmem:$0xC080] =	vst v63  }
0x69: {  	_ =	swait.ge [sflag:s7], $0xC000  }
0x6a: {  	[sflag:s7] =	ssyncset.done $0x0  }
0x6b: {  	s9 =	rddreg [dreg:$0x5];
	[sflag:s7] =	ssyncadd.s32 $0xFFFF4000  }
0x6c: {  	[tilespmem:s3], [sflag:$0x2] =	stream.linear.gather [hbm4b:s9+s3], $0x40, $0x38;
	[tilespmem:$0xC080] =	vst v63  }
0x6d: {  	_ =	swait.ge [sflag:s7], $0x40  }
0x6e: {  	[sflag:s7] =	ssyncset.done $0x0  }
0x6f: {  	[sflag:s7] =	ssyncadd.s32 $0xFFFFFFC0  }
0x70: {  	v3 =	vld [tilespmem:$0x0];
	_ =	sdelay $0x4  }
0x71: {  	v60 =	vshrl.u32 v3, $0x3  }
0x72: {  	v4 =	vmul.u32 $0x30, v60  }
0x73: {  	v3 =	vand.u32 $0x7, v3  }
0x74: {  	v3 =	vor.u32 v3, v4  }
0x75: {  	v4 =	vperm.xlane v3, v0;
	_ =	sdelay $0x1  }
0x76: {  	v4 =	vadd.s32 v1, v4;
	_ =	sdelay $0x3  }
0x77: {  	v3 =	vperm.xlane v3, v2  }
0x78: {  	[tilespmem:s0], [sflag:$0x1] =	stream.indirect_vreg.gather [hbm4b:s1+s3], $0x80, v4, vm0, $0xb8;
	[tilespmem:$0xC080] =	vst v63  }
0x79: {  	v3 =	vadd.s32 v1, v3  }
0x7a: {  	[tilespmem:s10], [sflag:$0x1] =	stream.indirect_vreg.gather [hbm4b:s4+s3], $0x80, v4, vm0, $0xb8;
	[tilespmem:$0xC080] =	vst v63  }
0x7b: {  	_ = 	snop  }
0x7c: {  	[tilespmem:s11], [sflag:$0x1] =	stream.indirect_vreg.gather [hbm4b:s5+s3], $0x80, v4, vm0, $0xb8;
	[tilespmem:$0xC080] =	vst v63  }
0x7d: {  	_ = 	snop  }
0x7e: {  	[tilespmem:s12], [sflag:$0x1] =	stream.indirect_vreg.gather [hbm4b:s1+s3], $0x80, v3, vm0, $0xb8;
	[tilespmem:$0xC080] =	vst v63  }
0x7f: {  	_ = 	snop  }
0x80: {  	[tilespmem:s13], [sflag:$0x1] =	stream.indirect_vreg.gather [hbm4b:s4+s3], $0x80, v3, vm0, $0xb8;
	[tilespmem:$0xC080] =	vst v63  }
0x81: {  	_ = 	snop  }
0x82: {  	[tilespmem:s14], [sflag:$0x1] =	stream.indirect_vreg.gather [hbm4b:s5+s3], $0x80, v3, vm0, $0xb8;
	[tilespmem:$0xC080] =	vst v63  }
0x83: {  	v3 =	vld [tilespmem:$0x10];
	_ =	sdelay $0x4  }
0x84: {  	v61 =	vshrl.u32 v3, $0x3  }
0x85: {  	v4 =	vmul.u32 $0x30, v61  }
0x86: {  	v3 =	vand.u32 $0x7, v3  }
0x87: {  	v3 =	vor.u32 v3, v4  }
0x88: {  	v4 =	vperm.xlane v3, v0;
	_ =	sdelay $0x1  }
0x89: {  	v4 =	vadd.s32 v1, v4;
	_ =	sdelay $0x3  }
0x8a: {  	v3 =	vperm.xlane v3, v2  }
0x8b: {  	[tilespmem:s15], [sflag:$0x1] =	stream.indirect_vreg.gather [hbm4b:s1+s3], $0x80, v4, vm0, $0xb8;
	[tilespmem:$0xC080] =	vst v63  }
0x8c: {  	v3 =	vadd.s32 v1, v3  }
0x8d: {  	[tilespmem:s16], [sflag:$0x1] =	stream.indirect_vreg.gather [hbm4b:s4+s3], $0x80, v4, vm0, $0xb8;
	[tilespmem:$0xC080] =	vst v63  }
0x8e: {  	_ = 	snop  }
0x8f: {  	[tilespmem:s17], [sflag:$0x1] =	stream.indirect_vreg.gather [hbm4b:s5+s3], $0x80, v4, vm0, $0xb8;
	[tilespmem:$0xC080] =	vst v63  }
0x90: {  	_ = 	snop  }
0x91: {  	[tilespmem:s18], [sflag:$0x1] =	stream.indirect_vreg.gather [hbm4b:s1+s3], $0x80, v3, vm0, $0xb8;
	[tilespmem:$0xC080] =	vst v63  }
0x92: {  	_ = 	snop  }
0x93: {  	[tilespmem:s19], [sflag:$0x1] =	stream.indirect_vreg.gather [hbm4b:s4+s3], $0x80, v3, vm0, $0xb8;
	[tilespmem:$0xC080] =	vst v63  }
0x94: {  	_ = 	snop  }
0x95: {  	[tilespmem:s20], [sflag:$0x1] =	stream.indirect_vreg.gather [hbm4b:s5+s3], $0x80, v3, vm0, $0xb8;
	[tilespmem:$0xC080] =	vst v63  }
0x96: {  	v3 =	vld [tilespmem:$0x20];
	_ =	sdelay $0x4  }
0x97: {  	v62 =	vshrl.u32 v3, $0x3  }
0x98: {  	v4 =	vmul.u32 $0x30, v62  }
0x99: {  	v3 =	vand.u32 $0x7, v3  }
0x9a: {  	v3 =	vor.u32 v3, v4  }
0x9b: {  	v4 =	vperm.xlane v3, v0;
	_ =	sdelay $0x1  }
0x9c: {  	v4 =	vadd.s32 v1, v4;
	_ =	sdelay $0x3  }
0x9d: {  	v3 =	vperm.xlane v3, v2  }
0x9e: {  	[tilespmem:s21], [sflag:$0x1] =	stream.indirect_vreg.gather [hbm4b:s1+s3], $0x80, v4, vm0, $0xb8;
	[tilespmem:$0xC080] =	vst v63  }
0x9f: {  	v3 =	vadd.s32 v1, v3  }
0xa0: {  	[tilespmem:s22], [sflag:$0x1] =	stream.indirect_vreg.gather [hbm4b:s4+s3], $0x80, v4, vm0, $0xb8;
	[tilespmem:$0xC080] =	vst v63  }
0xa1: {  	_ = 	snop  }
0xa2: {  	[tilespmem:s23], [sflag:$0x1] =	stream.indirect_vreg.gather [hbm4b:s5+s3], $0x80, v4, vm0, $0xb8;
	[tilespmem:$0xC080] =	vst v63  }
0xa3: {  	_ = 	snop  }
0xa4: {  	[tilespmem:s24], [sflag:$0x1] =	stream.indirect_vreg.gather [hbm4b:s1+s3], $0x80, v3, vm0, $0xb8;
	[tilespmem:$0xC080] =	vst v63  }
0xa5: {  	_ = 	snop  }
0xa6: {  	[tilespmem:s25], [sflag:$0x1] =	stream.indirect_vreg.gather [hbm4b:s4+s3], $0x80, v3, vm0, $0xb8;
	[tilespmem:$0xC080] =	vst v63  }
0xa7: {  	_ = 	snop  }
0xa8: {  	[tilespmem:s26], [sflag:$0x1] =	stream.indirect_vreg.gather [hbm4b:s5+s3], $0x80, v3, vm0, $0xb8;
	[tilespmem:$0xC080] =	vst v63  }
0xa9: {  	v3 =	vld [tilespmem:$0x30];
	_ =	sdelay $0x4  }
0xaa: {  	v63 =	vshrl.u32 v3, $0x3  }
0xab: {  	v4 =	vmul.u32 $0x30, v63  }
0xac: {  	v3 =	vand.u32 $0x7, v3  }
0xad: {  	v3 =	vor.u32 v3, v4  }
0xae: {  	v4 =	vperm.xlane v3, v0;
	_ =	sdelay $0x1  }
0xaf: {  	v4 =	vadd.s32 v1, v4;
	_ =	sdelay $0x3  }
0xb0: {  	v3 =	vperm.xlane v3, v2  }
0xb1: {  	[tilespmem:s28], [sflag:$0x1] =	stream.indirect_vreg.gather [hbm4b:s1+s3], $0x80, v4, vm0, $0xb8;
	[tilespmem:$0xC080] =	vst v63  }
0xb2: {  	v3 =	vadd.s32 v1, v3  }
0xb3: {  	[tilespmem:s29], [sflag:$0x1] =	stream.indirect_vreg.gather [hbm4b:s4+s3], $0x80, v4, vm0, $0xb8;
	[tilespmem:$0xC080] =	vst v63  }
0xb4: {  	_ = 	snop  }
0xb5: {  	[tilespmem:s30], [sflag:$0x1] =	stream.indirect_vreg.gather [hbm4b:s5+s3], $0x80, v4, vm0, $0xb8;
	[tilespmem:$0xC080] =	vst v63  }
0xb6: {  	_ = 	snop  }
0xb7: {  	[tilespmem:s31], [sflag:$0x1] =	stream.indirect_vreg.gather [hbm4b:s1+s3], $0x80, v3, vm0, $0xb8;
	[tilespmem:$0xC080] =	vst v63  }
0xb8: {  	s9 =	simm.s32 $0xB080  }
0xb9: {  	[tilespmem:s9], [sflag:$0x1] =	stream.indirect_vreg.gather [hbm4b:s4+s3], $0x80, v3, vm0, $0xb8;
	[tilespmem:$0xC080] =	vst v63  }
0xba: {  	_ = 	snop  }
0xbb: {  	[tilespmem:s8], [sflag:$0x1] =	stream.indirect_vreg.gather [hbm4b:s5+s3], $0x80, v3, vm0, $0xb8;
	[tilespmem:$0xC080] =	vst v63  }
0xbc: {  	_ =	swait.ge [sflag:s2], $0xC000  }
0xbd: {  	p0 =	sne.s32 s6, $0x1;
	[sflag:s2] =	ssyncset.done $0x0  }
.Ltmp0:
0xbe: {  	s8 =	rddreg [dreg:$0x6];
	[sflag:s2] =	ssyncadd.s32 $0xFFFF4000;
	(pc) =	sbr.rel @p0 .LBB2_1-.Ltmp0, $4  }
0xbf: {  	[hbm4b:s8+s3] =	stream.linear.scatter [tilespmem:s0], [sflag:$0x2], $0xC000, $0x38;
	[tilespmem:$0xC080] =	vst v63  }
0xc0: {  	_ =	swait.ge [sflag:s7], $0xC000  }
0xc1: {  	[sflag:s7] =	ssyncset.done $0x0  }
0xc2: {  	s6 =	sadd.s32 $0xFFFFFFFF, s6;
	[sflag:s7] =	ssyncadd.s32 $0xFFFF4000  }
0xc3: {  	_ =	sfence.sel $0x180000  }
0xc4: {  	[bflag:$0x0] =	sbarrier.arrive $0xFFFF  }
0xc5: {  	_ =	strace $0x90000050  }
0xc6: {  	s0 =	stileid.u32;
	[bflag:$0x2] =	sbarrier.arrive $0xFFFF  }
0xc7: {  	p0 =	sne.s32 s0, $0x0;
	s0 =	rddreg [dreg:$0x2]  }
0xc8: {  	s0 =	sadd.s32 @!p0 $0x100000, s0  }
0xc9: {  	[sflag:s0] =	ssyncadd.tile.s32 @!p0 $0x1;
	_ =	shalt  }
.Lfunc_end2:
_tile_overlayer_lowered:
.L_overlay_start_2:
0xca: {  	(tag) =	ssettag $0x2  }
0xcb: {  	s0 =	rddreg [dreg:$0x0];
	s2 =	stileid.u32  }
0xcc: {  	s1 =	rddreg [dreg:$0x1];
	p0 =	sne.s32 s2, $0x0  }
0xcd: {  	s3 =	rddreg [dreg:$0x2];
	[bflag:$0x3] =	sbarrier.arrive $0xFFFF;
	s2 =	simm.s32 @!p0 $0x1C02  }
0xce: {  	[timem:s3], [sflag:s2] =	dma.local @!p0 [hbm:s0], s1  }
0xcf: {  	s0 =	simm.s32 @!p0 $0x2  }
0xd0: {  	_ =	swait.ge @!p0 [sflag:s0], s1  }
0xd1: {  	s1 =	ssub.s32 @!p0 $0x0, s1;
	[sflag:s0] =	ssyncset.done @!p0 $0x0  }
0xd2: {  	[sflag:s0] =	ssyncadd.s32 @!p0 s1  }
0xd3: {  	[bflag:$0x3] =	sbarrier.arrive $0xFFFF  }
0xd4: {  	_ =	shalt  }

</sc_bundles>
